<compile_context>
chip_gen: v7x
topology: tpu7x:2x2x1
jax: 0.10.2.dev20260603
libtpu: 0.0.44.dev20260713+nightly
codegen_flags: <defaults>
</compile_context>

<pallas_src>
import functools

import jax
import jax.numpy as jnp
from jax import lax
from jax.experimental import pallas as pl
from jax.experimental.pallas import tpu as pltpu
from jax.experimental.pallas import tpu_sc as plsc

_EMB = 32
_BC = 8


def _make_gather(batch: int, seq: int):
    info = plsc.get_sparse_core_info()
    nc, ns = info.num_cores, info.num_subcores
    nw = nc * ns
    rows_per_w = batch // nw
    assert batch % (nw * _BC * 2) == 0
    n_chunks = rows_per_w // _BC

    mesh = plsc.VectorSubcoreMesh(core_axis_name="c", subcore_axis_name="s")

    @functools.partial(
        pl.kernel,
        mesh=mesh,
        out_type=jax.ShapeDtypeStruct((batch, seq, _EMB), jnp.float32),
        scratch_types=[
            pltpu.VMEM((rows_per_w, seq), jnp.int32),
            pltpu.VMEM((_BC, seq, _EMB), jnp.float32),
            pltpu.VMEM((_BC, seq, _EMB), jnp.float32),
            pltpu.SemaphoreType.DMA,
            pltpu.SemaphoreType.DMA,
        ],
        compiler_params=pltpu.CompilerParams(use_tc_tiling_on_sc=False),
    )
    def gather(idx_hbm, table_hbm, out_hbm, idx_v, rv0, rv1, sem0, sem1):
        wid = lax.axis_index("s") * nc + lax.axis_index("c")
        row_base = wid * rows_per_w
        bufs = ((rv0, sem0), (rv1, sem1))

        pltpu.sync_copy(idx_hbm.at[pl.ds(row_base, rows_per_w)], idx_v)

        def fire(c, rv, sem):
            copies = []
            for j in range(_BC):
                cp = pltpu.make_async_copy(
                    table_hbm.at[idx_v.at[c * _BC + j]], rv.at[j], sem
                )
                cp.start()
                copies.append(cp)
            return copies

        def drain_store(c, copies, rv):
            for cp in copies:
                cp.wait()
            pltpu.sync_copy(rv, out_hbm.at[pl.ds(row_base + c * _BC, _BC)])

        def pair_body(p, _):
            c0 = p * 2
            cp0 = fire(c0, *bufs[0])
            cp1 = fire(c0 + 1, *bufs[1])
            drain_store(c0, cp0, bufs[0][0])
            drain_store(c0 + 1, cp1, bufs[1][0])
            return ()

        lax.fori_loop(0, n_chunks // 2, pair_body, (), unroll=False)

    return gather


def kernel(indices, table):
    b, l = indices.shape
    idx = indices.astype(jnp.int32)
    return _make_gather(b, l)(idx, table)

# --- scband reference (transcript-rebuilt; emitter-appended) ---
"""Pipeline reference for scband-static-embedding-11295763988498 (READ-ONLY COPY).

The authoritative reference and input builder live on the scoring server;
editing this copy changes nothing except your own understanding.
"""

import jax, jax.numpy as jnp
import numpy as np

VOCAB = 1000000
EMB_DIM = 32
BATCH = 4096
SEQ_LEN = 50

def setup_inputs(seed: int = 0) -> dict:
    key = jax.random.key(seed)
    k_idx, k_tab = jax.random.split(key)
    indices = jax.random.randint(k_idx, (BATCH, SEQ_LEN), 0, VOCAB, dtype=jnp.int64 if jax.config.jax_enable_x64 else jnp.int32)
    table = jax.random.normal(k_tab, (VOCAB, EMB_DIM), dtype=jnp.float32)
    return {"indices": indices, "table": table}

def reference(indices, table):
    # Faithful translation of StaticEmbedding.forward: for each batch row,
    # look up pretrained vectors for each token id and place them into a
    # dense [bsz, max_seq_len, dim_emb] tensor. With uniform-length batches
    # this is a pure gather from the vector table.
    embed = jnp.take(table, indices, axis=0)  # [B, L, D]
    return embed

if __name__ == "__main__":
    import jax
    _d = setup_inputs()
    print(jax.jit(kernel)(*tuple(_d.values())))

</pallas_src>

<mosaic_0001>
#map = affine_map<(d0, d1) -> (0, 0)>
#map1 = affine_map<(d0, d1) -> (0, 0, 0)>
module attributes {stable_mosaic.version = 14 : i64} {
  func.func @gather(%arg0: i32, %arg1: i32, %arg2: memref<4096x50xi32, #tpu.memory_space<hbm>>, %arg3: memref<1000000x32xf32, #tpu.memory_space<hbm>>, %arg4: memref<4096x50x32xf32, #tpu.memory_space<hbm>>, %arg5: memref<128x50xi32, #tpu.memory_space<vmem>>, %arg6: memref<8x50x32xf32, #tpu.memory_space<vmem>>, %arg7: memref<8x50x32xf32, #tpu.memory_space<vmem>>, %arg8: memref<!tpu.dma_semaphore, #tpu.memory_space<semaphore_mem>>, %arg9: memref<!tpu.dma_semaphore, #tpu.memory_space<semaphore_mem>>) attributes {dimension_semantics = [#tpu.dimension_semantics<core_parallel>, #tpu.dimension_semantics<subcore_parallel>], iteration_bounds = array<i64: 2, 16>, scalar_prefetch = 0 : i64, scratch_operands = 5 : i64, tpu.core_type = #tpu.core_type<sc_vector_subcore>, window_params = [{transform_indices = #map}, {transform_indices = #map}, {transform_indices = #map1}]} {
    %mul3A = arith.constant 2 : i32
    %mul3A_0 = arith.muli %arg1, %mul3A : i32
    %add3A = arith.addi %mul3A_0, %arg0 : i32
    %mul3A_1 = arith.constant 128 : i32
    %mul3A_2 = arith.muli %add3A, %mul3A_1 : i32
    "tpu.region"() ({
      %run_scoped3A = tpu.sem_alloc : memref<!tpu.dma_semaphore, #tpu.memory_space<semaphore_mem>>
      %dma_start3A = arith.constant 0 : i32
      %dma_start3A_7 = tpu.memref_slice %arg2[%mul3A_2, %dma_start3A] : memref<4096x50xi32, #tpu.memory_space<hbm>> -> memref<128x50xi32, #tpu.memory_space<hbm>>
      %dma_start3A_8 = arith.constant 0 : i32
      %dma_start3A_9 = tpu.memref_slice %arg2[%mul3A_2, %dma_start3A_8] : memref<4096x50xi32, #tpu.memory_space<hbm>> -> memref<128x50xi32, #tpu.memory_space<hbm>>
      tpu.enqueue_dma source(%dma_start3A_9 : memref<128x50xi32, #tpu.memory_space<hbm>>) target(%arg5 : memref<128x50xi32, #tpu.memory_space<vmem>>) target_semaphore(%run_scoped3A : memref<!tpu.dma_semaphore, #tpu.memory_space<semaphore_mem>>)
      %dma_wait3A = arith.constant 0 : i32
      %dma_wait3A_10 = tpu.memref_slice %arg2[%mul3A_2, %dma_wait3A] : memref<4096x50xi32, #tpu.memory_space<hbm>> -> memref<128x50xi32, #tpu.memory_space<hbm>>
      %dma_wait3A_11 = arith.constant 0 : i32
      %dma_wait3A_12 = tpu.memref_slice %arg2[%mul3A_2, %dma_wait3A_11] : memref<4096x50xi32, #tpu.memory_space<hbm>> -> memref<128x50xi32, #tpu.memory_space<hbm>>
      tpu.wait_dma2 semaphore(%run_scoped3A : memref<!tpu.dma_semaphore, #tpu.memory_space<semaphore_mem>>) src(%dma_wait3A_12 : memref<128x50xi32, #tpu.memory_space<hbm>>) dst(%arg5 : memref<128x50xi32, #tpu.memory_space<vmem>>)
      tpu.yield
    }) : () -> ()
    %scan3A = arith.constant 0 : i32
    %scan3A_3 = arith.constant 8 : i32
    %scan3A_4 = arith.addi %scan3A, %scan3A_3 : i32
    %scan3A_5 = arith.constant 1 : i32
    scf.for %scan3A_7 = %scan3A to %scan3A_4 step %scan3A_5  : i32 {
      %mul3A_8 = arith.constant 2 : i32
      %mul3A_9 = arith.muli %scan3A_7, %mul3A_8 : i32
      %mul3A_10 = arith.constant 8 : i32
      %mul3A_11 = arith.muli %mul3A_9, %mul3A_10 : i32
      %add3A_12 = arith.constant 0 : i32
      %add3A_13 = arith.addi %mul3A_11, %add3A_12 : i32
      %dma_start3A = arith.constant 0 : i32
      %dma_start3A_14 = arith.constant 0 : i32
      %dma_start3A_15 = arith.constant 0 : i32
      %dma_start3A_16 = tpu.memref_slice %arg6[%dma_start3A, %dma_start3A_14, %dma_start3A_15] : memref<8x50x32xf32, #tpu.memory_space<vmem>> -> memref<1x50x32xf32, #tpu.memory_space<vmem>>
      %dma_start3A_17 = tpu.memref_squeeze %dma_start3A_16 : memref<1x50x32xf32, #tpu.memory_space<vmem>> -> memref<50x32xf32, #tpu.memory_space<vmem>>
      %dma_start3A_18 = arith.constant 0 : i32
      %dma_start3A_19 = tpu.memref_slice %arg5[%add3A_13, %dma_start3A_18] : memref<128x50xi32, #tpu.memory_space<vmem>> -> memref<1x50xi32, #tpu.memory_space<vmem>>
      %dma_start3A_20 = tpu.memref_squeeze %dma_start3A_19 : memref<1x50xi32, #tpu.memory_space<vmem>> -> memref<50xi32, #tpu.memory_space<vmem>>
      %dma_start3A_21 = arith.constant 0 : i32
      %dma_start3A_22 = arith.constant 0 : i32
      %dma_start3A_23 = tpu.memref_slice %arg3[%dma_start3A_21, %dma_start3A_22] : memref<1000000x32xf32, #tpu.memory_space<hbm>> -> memref<1000000x32xf32, #tpu.memory_space<hbm>>
      tpu.enqueue_indirect_dma source(%dma_start3A_23 : memref<1000000x32xf32, #tpu.memory_space<hbm>>) target(%dma_start3A_17 : memref<50x32xf32, #tpu.memory_space<vmem>>) offsets(%dma_start3A_20 : memref<50xi32, #tpu.memory_space<vmem>>) semaphore(%arg8 : memref<!tpu.dma_semaphore, #tpu.memory_space<semaphore_mem>>)
      %mul3A_24 = arith.constant 8 : i32
      %mul3A_25 = arith.muli %mul3A_9, %mul3A_24 : i32
      %add3A_26 = arith.constant 1 : i32
      %add3A_27 = arith.addi %mul3A_25, %add3A_26 : i32
      %dma_start3A_28 = arith.constant 1 : i32
      %dma_start3A_29 = arith.constant 0 : i32
      %dma_start3A_30 = arith.constant 0 : i32
      %dma_start3A_31 = tpu.memref_slice %arg6[%dma_start3A_28, %dma_start3A_29, %dma_start3A_30] : memref<8x50x32xf32, #tpu.memory_space<vmem>> -> memref<1x50x32xf32, #tpu.memory_space<vmem>>
      %dma_start3A_32 = tpu.memref_squeeze %dma_start3A_31 : memref<1x50x32xf32, #tpu.memory_space<vmem>> -> memref<50x32xf32, #tpu.memory_space<vmem>>
      %dma_start3A_33 = arith.constant 0 : i32
      %dma_start3A_34 = tpu.memref_slice %arg5[%add3A_27, %dma_start3A_33] : memref<128x50xi32, #tpu.memory_space<vmem>> -> memref<1x50xi32, #tpu.memory_space<vmem>>
      %dma_start3A_35 = tpu.memref_squeeze %dma_start3A_34 : memref<1x50xi32, #tpu.memory_space<vmem>> -> memref<50xi32, #tpu.memory_space<vmem>>
      %dma_start3A_36 = arith.constant 0 : i32
      %dma_start3A_37 = arith.constant 0 : i32
      %dma_start3A_38 = tpu.memref_slice %arg3[%dma_start3A_36, %dma_start3A_37] : memref<1000000x32xf32, #tpu.memory_space<hbm>> -> memref<1000000x32xf32, #tpu.memory_space<hbm>>
      tpu.enqueue_indirect_dma source(%dma_start3A_38 : memref<1000000x32xf32, #tpu.memory_space<hbm>>) target(%dma_start3A_32 : memref<50x32xf32, #tpu.memory_space<vmem>>) offsets(%dma_start3A_35 : memref<50xi32, #tpu.memory_space<vmem>>) semaphore(%arg8 : memref<!tpu.dma_semaphore, #tpu.memory_space<semaphore_mem>>)
      %mul3A_39 = arith.constant 8 : i32
      %mul3A_40 = arith.muli %mul3A_9, %mul3A_39 : i32
      %add3A_41 = arith.constant 2 : i32
      %add3A_42 = arith.addi %mul3A_40, %add3A_41 : i32
      %dma_start3A_43 = arith.constant 2 : i32
      %dma_start3A_44 = arith.constant 0 : i32
      %dma_start3A_45 = arith.constant 0 : i32
      %dma_start3A_46 = tpu.memref_slice %arg6[%dma_start3A_43, %dma_start3A_44, %dma_start3A_45] : memref<8x50x32xf32, #tpu.memory_space<vmem>> -> memref<1x50x32xf32, #tpu.memory_space<vmem>>
      %dma_start3A_47 = tpu.memref_squeeze %dma_start3A_46 : memref<1x50x32xf32, #tpu.memory_space<vmem>> -> memref<50x32xf32, #tpu.memory_space<vmem>>
      %dma_start3A_48 = arith.constant 0 : i32
      %dma_start3A_49 = tpu.memref_slice %arg5[%add3A_42, %dma_start3A_48] : memref<128x50xi32, #tpu.memory_space<vmem>> -> memref<1x50xi32, #tpu.memory_space<vmem>>
      %dma_start3A_50 = tpu.memref_squeeze %dma_start3A_49 : memref<1x50xi32, #tpu.memory_space<vmem>> -> memref<50xi32, #tpu.memory_space<vmem>>
      %dma_start3A_51 = arith.constant 0 : i32
      %dma_start3A_52 = arith.constant 0 : i32
      %dma_start3A_53 = tpu.memref_slice %arg3[%dma_start3A_51, %dma_start3A_52] : memref<1000000x32xf32, #tpu.memory_space<hbm>> -> memref<1000000x32xf32, #tpu.memory_space<hbm>>
      tpu.enqueue_indirect_dma source(%dma_start3A_53 : memref<1000000x32xf32, #tpu.memory_space<hbm>>) target(%dma_start3A_47 : memref<50x32xf32, #tpu.memory_space<vmem>>) offsets(%dma_start3A_50 : memref<50xi32, #tpu.memory_space<vmem>>) semaphore(%arg8 : memref<!tpu.dma_semaphore, #tpu.memory_space<semaphore_mem>>)
      %mul3A_54 = arith.constant 8 : i32
      %mul3A_55 = arith.muli %mul3A_9, %mul3A_54 : i32
      %add3A_56 = arith.constant 3 : i32
      %add3A_57 = arith.addi %mul3A_55, %add3A_56 : i32
      %dma_start3A_58 = arith.constant 3 : i32
      %dma_start3A_59 = arith.constant 0 : i32
      %dma_start3A_60 = arith.constant 0 : i32
      %dma_start3A_61 = tpu.memref_slice %arg6[%dma_start3A_58, %dma_start3A_59, %dma_start3A_60] : memref<8x50x32xf32, #tpu.memory_space<vmem>> -> memref<1x50x32xf32, #tpu.memory_space<vmem>>
      %dma_start3A_62 = tpu.memref_squeeze %dma_start3A_61 : memref<1x50x32xf32, #tpu.memory_space<vmem>> -> memref<50x32xf32, #tpu.memory_space<vmem>>
      %dma_start3A_63 = arith.constant 0 : i32
      %dma_start3A_64 = tpu.memref_slice %arg5[%add3A_57, %dma_start3A_63] : memref<128x50xi32, #tpu.memory_space<vmem>> -> memref<1x50xi32, #tpu.memory_space<vmem>>
      %dma_start3A_65 = tpu.memref_squeeze %dma_start3A_64 : memref<1x50xi32, #tpu.memory_space<vmem>> -> memref<50xi32, #tpu.memory_space<vmem>>
      %dma_start3A_66 = arith.constant 0 : i32
      %dma_start3A_67 = arith.constant 0 : i32
      %dma_start3A_68 = tpu.memref_slice %arg3[%dma_start3A_66, %dma_start3A_67] : memref<1000000x32xf32, #tpu.memory_space<hbm>> -> memref<1000000x32xf32, #tpu.memory_space<hbm>>
      tpu.enqueue_indirect_dma source(%dma_start3A_68 : memref<1000000x32xf32, #tpu.memory_space<hbm>>) target(%dma_start3A_62 : memref<50x32xf32, #tpu.memory_space<vmem>>) offsets(%dma_start3A_65 : memref<50xi32, #tpu.memory_space<vmem>>) semaphore(%arg8 : memref<!tpu.dma_semaphore, #tpu.memory_space<semaphore_mem>>)
      %mul3A_69 = arith.constant 8 : i32
      %mul3A_70 = arith.muli %mul3A_9, %mul3A_69 : i32
      %add3A_71 = arith.constant 4 : i32
      %add3A_72 = arith.addi %mul3A_70, %add3A_71 : i32
      %dma_start3A_73 = arith.constant 4 : i32
      %dma_start3A_74 = arith.constant 0 : i32
      %dma_start3A_75 = arith.constant 0 : i32
      %dma_start3A_76 = tpu.memref_slice %arg6[%dma_start3A_73, %dma_start3A_74, %dma_start3A_75] : memref<8x50x32xf32, #tpu.memory_space<vmem>> -> memref<1x50x32xf32, #tpu.memory_space<vmem>>
      %dma_start3A_77 = tpu.memref_squeeze %dma_start3A_76 : memref<1x50x32xf32, #tpu.memory_space<vmem>> -> memref<50x32xf32, #tpu.memory_space<vmem>>
      %dma_start3A_78 = arith.constant 0 : i32
      %dma_start3A_79 = tpu.memref_slice %arg5[%add3A_72, %dma_start3A_78] : memref<128x50xi32, #tpu.memory_space<vmem>> -> memref<1x50xi32, #tpu.memory_space<vmem>>
      %dma_start3A_80 = tpu.memref_squeeze %dma_start3A_79 : memref<1x50xi32, #tpu.memory_space<vmem>> -> memref<50xi32, #tpu.memory_space<vmem>>
      %dma_start3A_81 = arith.constant 0 : i32
      %dma_start3A_82 = arith.constant 0 : i32
      %dma_start3A_83 = tpu.memref_slice %arg3[%dma_start3A_81, %dma_start3A_82] : memref<1000000x32xf32, #tpu.memory_space<hbm>> -> memref<1000000x32xf32, #tpu.memory_space<hbm>>
      tpu.enqueue_indirect_dma source(%dma_start3A_83 : memref<1000000x32xf32, #tpu.memory_space<hbm>>) target(%dma_start3A_77 : memref<50x32xf32, #tpu.memory_space<vmem>>) offsets(%dma_start3A_80 : memref<50xi32, #tpu.memory_space<vmem>>) semaphore(%arg8 : memref<!tpu.dma_semaphore, #tpu.memory_space<semaphore_mem>>)
      %mul3A_84 = arith.constant 8 : i32
      %mul3A_85 = arith.muli %mul3A_9, %mul3A_84 : i32
      %add3A_86 = arith.constant 5 : i32
      %add3A_87 = arith.addi %mul3A_85, %add3A_86 : i32
      %dma_start3A_88 = arith.constant 5 : i32
      %dma_start3A_89 = arith.constant 0 : i32
      %dma_start3A_90 = arith.constant 0 : i32
      %dma_start3A_91 = tpu.memref_slice %arg6[%dma_start3A_88, %dma_start3A_89, %dma_start3A_90] : memref<8x50x32xf32, #tpu.memory_space<vmem>> -> memref<1x50x32xf32, #tpu.memory_space<vmem>>
      %dma_start3A_92 = tpu.memref_squeeze %dma_start3A_91 : memref<1x50x32xf32, #tpu.memory_space<vmem>> -> memref<50x32xf32, #tpu.memory_space<vmem>>
      %dma_start3A_93 = arith.constant 0 : i32
      %dma_start3A_94 = tpu.memref_slice %arg5[%add3A_87, %dma_start3A_93] : memref<128x50xi32, #tpu.memory_space<vmem>> -> memref<1x50xi32, #tpu.memory_space<vmem>>
      %dma_start3A_95 = tpu.memref_squeeze %dma_start3A_94 : memref<1x50xi32, #tpu.memory_space<vmem>> -> memref<50xi32, #tpu.memory_space<vmem>>
      %dma_start3A_96 = arith.constant 0 : i32
      %dma_start3A_97 = arith.constant 0 : i32
      %dma_start3A_98 = tpu.memref_slice %arg3[%dma_start3A_96, %dma_start3A_97] : memref<1000000x32xf32, #tpu.memory_space<hbm>> -> memref<1000000x32xf32, #tpu.memory_space<hbm>>
      tpu.enqueue_indirect_dma source(%dma_start3A_98 : memref<1000000x32xf32, #tpu.memory_space<hbm>>) target(%dma_start3A_92 : memref<50x32xf32, #tpu.memory_space<vmem>>) offsets(%dma_start3A_95 : memref<50xi32, #tpu.memory_space<vmem>>) semaphore(%arg8 : memref<!tpu.dma_semaphore, #tpu.memory_space<semaphore_mem>>)
      %mul3A_99 = arith.constant 8 : i32
      %mul3A_100 = arith.muli %mul3A_9, %mul3A_99 : i32
      %add3A_101 = arith.constant 6 : i32
      %add3A_102 = arith.addi %mul3A_100, %add3A_101 : i32
      %dma_start3A_103 = arith.constant 6 : i32
      %dma_start3A_104 = arith.constant 0 : i32
      %dma_start3A_105 = arith.constant 0 : i32
      %dma_start3A_106 = tpu.memref_slice %arg6[%dma_start3A_103, %dma_start3A_104, %dma_start3A_105] : memref<8x50x32xf32, #tpu.memory_space<vmem>> -> memref<1x50x32xf32, #tpu.memory_space<vmem>>
      %dma_start3A_107 = tpu.memref_squeeze %dma_start3A_106 : memref<1x50x32xf32, #tpu.memory_space<vmem>> -> memref<50x32xf32, #tpu.memory_space<vmem>>
      %dma_start3A_108 = arith.constant 0 : i32
      %dma_start3A_109 = tpu.memref_slice %arg5[%add3A_102, %dma_start3A_108] : memref<128x50xi32, #tpu.memory_space<vmem>> -> memref<1x50xi32, #tpu.memory_space<vmem>>
      %dma_start3A_110 = tpu.memref_squeeze %dma_start3A_109 : memref<1x50xi32, #tpu.memory_space<vmem>> -> memref<50xi32, #tpu.memory_space<vmem>>
      %dma_start3A_111 = arith.constant 0 : i32
      %dma_start3A_112 = arith.constant 0 : i32
      %dma_start3A_113 = tpu.memref_slice %arg3[%dma_start3A_111, %dma_start3A_112] : memref<1000000x32xf32, #tpu.memory_space<hbm>> -> memref<1000000x32xf32, #tpu.memory_space<hbm>>
      tpu.enqueue_indirect_dma source(%dma_start3A_113 : memref<1000000x32xf32, #tpu.memory_space<hbm>>) target(%dma_start3A_107 : memref<50x32xf32, #tpu.memory_space<vmem>>) offsets(%dma_start3A_110 : memref<50xi32, #tpu.memory_space<vmem>>) semaphore(%arg8 : memref<!tpu.dma_semaphore, #tpu.memory_space<semaphore_mem>>)
      %mul3A_114 = arith.constant 8 : i32
      %mul3A_115 = arith.muli %mul3A_9, %mul3A_114 : i32
      %add3A_116 = arith.constant 7 : i32
      %add3A_117 = arith.addi %mul3A_115, %add3A_116 : i32
      %dma_start3A_118 = arith.constant 7 : i32
      %dma_start3A_119 = arith.constant 0 : i32
      %dma_start3A_120 = arith.constant 0 : i32
      %dma_start3A_121 = tpu.memref_slice %arg6[%dma_start3A_118, %dma_start3A_119, %dma_start3A_120] : memref<8x50x32xf32, #tpu.memory_space<vmem>> -> memref<1x50x32xf32, #tpu.memory_space<vmem>>
      %dma_start3A_122 = tpu.memref_squeeze %dma_start3A_121 : memref<1x50x32xf32, #tpu.memory_space<vmem>> -> memref<50x32xf32, #tpu.memory_space<vmem>>
      %dma_start3A_123 = arith.constant 0 : i32
      %dma_start3A_124 = tpu.memref_slice %arg5[%add3A_117, %dma_start3A_123] : memref<128x50xi32, #tpu.memory_space<vmem>> -> memref<1x50xi32, #tpu.memory_space<vmem>>
      %dma_start3A_125 = tpu.memref_squeeze %dma_start3A_124 : memref<1x50xi32, #tpu.memory_space<vmem>> -> memref<50xi32, #tpu.memory_space<vmem>>
      %dma_start3A_126 = arith.constant 0 : i32
      %dma_start3A_127 = arith.constant 0 : i32
      %dma_start3A_128 = tpu.memref_slice %arg3[%dma_start3A_126, %dma_start3A_127] : memref<1000000x32xf32, #tpu.memory_space<hbm>> -> memref<1000000x32xf32, #tpu.memory_space<hbm>>
      tpu.enqueue_indirect_dma source(%dma_start3A_128 : memref<1000000x32xf32, #tpu.memory_space<hbm>>) target(%dma_start3A_122 : memref<50x32xf32, #tpu.memory_space<vmem>>) offsets(%dma_start3A_125 : memref<50xi32, #tpu.memory_space<vmem>>) semaphore(%arg8 : memref<!tpu.dma_semaphore, #tpu.memory_space<semaphore_mem>>)
      %add3A_129 = arith.constant 1 : i32
      %add3A_130 = arith.addi %mul3A_9, %add3A_129 : i32
      %mul3A_131 = arith.constant 8 : i32
      %mul3A_132 = arith.muli %add3A_130, %mul3A_131 : i32
      %add3A_133 = arith.constant 0 : i32
      %add3A_134 = arith.addi %mul3A_132, %add3A_133 : i32
      %dma_start3A_135 = arith.constant 0 : i32
      %dma_start3A_136 = arith.constant 0 : i32
      %dma_start3A_137 = arith.constant 0 : i32
      %dma_start3A_138 = tpu.memref_slice %arg7[%dma_start3A_135, %dma_start3A_136, %dma_start3A_137] : memref<8x50x32xf32, #tpu.memory_space<vmem>> -> memref<1x50x32xf32, #tpu.memory_space<vmem>>
      %dma_start3A_139 = tpu.memref_squeeze %dma_start3A_138 : memref<1x50x32xf32, #tpu.memory_space<vmem>> -> memref<50x32xf32, #tpu.memory_space<vmem>>
      %dma_start3A_140 = arith.constant 0 : i32
      %dma_start3A_141 = tpu.memref_slice %arg5[%add3A_134, %dma_start3A_140] : memref<128x50xi32, #tpu.memory_space<vmem>> -> memref<1x50xi32, #tpu.memory_space<vmem>>
      %dma_start3A_142 = tpu.memref_squeeze %dma_start3A_141 : memref<1x50xi32, #tpu.memory_space<vmem>> -> memref<50xi32, #tpu.memory_space<vmem>>
      %dma_start3A_143 = arith.constant 0 : i32
      %dma_start3A_144 = arith.constant 0 : i32
      %dma_start3A_145 = tpu.memref_slice %arg3[%dma_start3A_143, %dma_start3A_144] : memref<1000000x32xf32, #tpu.memory_space<hbm>> -> memref<1000000x32xf32, #tpu.memory_space<hbm>>
      tpu.enqueue_indirect_dma source(%dma_start3A_145 : memref<1000000x32xf32, #tpu.memory_space<hbm>>) target(%dma_start3A_139 : memref<50x32xf32, #tpu.memory_space<vmem>>) offsets(%dma_start3A_142 : memref<50xi32, #tpu.memory_space<vmem>>) semaphore(%arg9 : memref<!tpu.dma_semaphore, #tpu.memory_space<semaphore_mem>>)
      %mul3A_146 = arith.constant 8 : i32
      %mul3A_147 = arith.muli %add3A_130, %mul3A_146 : i32
      %add3A_148 = arith.constant 1 : i32
      %add3A_149 = arith.addi %mul3A_147, %add3A_148 : i32
      %dma_start3A_150 = arith.constant 1 : i32
      %dma_start3A_151 = arith.constant 0 : i32
      %dma_start3A_152 = arith.constant 0 : i32
      %dma_start3A_153 = tpu.memref_slice %arg7[%dma_start3A_150, %dma_start3A_151, %dma_start3A_152] : memref<8x50x32xf32, #tpu.memory_space<vmem>> -> memref<1x50x32xf32, #tpu.memory_space<vmem>>
      %dma_start3A_154 = tpu.memref_squeeze %dma_start3A_153 : memref<1x50x32xf32, #tpu.memory_space<vmem>> -> memref<50x32xf32, #tpu.memory_space<vmem>>
      %dma_start3A_155 = arith.constant 0 : i32
      %dma_start3A_156 = tpu.memref_slice %arg5[%add3A_149, %dma_start3A_155] : memref<128x50xi32, #tpu.memory_space<vmem>> -> memref<1x50xi32, #tpu.memory_space<vmem>>
      %dma_start3A_157 = tpu.memref_squeeze %dma_start3A_156 : memref<1x50xi32, #tpu.memory_space<vmem>> -> memref<50xi32, #tpu.memory_space<vmem>>
      %dma_start3A_158 = arith.constant 0 : i32
      %dma_start3A_159 = arith.constant 0 : i32
      %dma_start3A_160 = tpu.memref_slice %arg3[%dma_start3A_158, %dma_start3A_159] : memref<1000000x32xf32, #tpu.memory_space<hbm>> -> memref<1000000x32xf32, #tpu.memory_space<hbm>>
      tpu.enqueue_indirect_dma source(%dma_start3A_160 : memref<1000000x32xf32, #tpu.memory_space<hbm>>) target(%dma_start3A_154 : memref<50x32xf32, #tpu.memory_space<vmem>>) offsets(%dma_start3A_157 : memref<50xi32, #tpu.memory_space<vmem>>) semaphore(%arg9 : memref<!tpu.dma_semaphore, #tpu.memory_space<semaphore_mem>>)
      %mul3A_161 = arith.constant 8 : i32
      %mul3A_162 = arith.muli %add3A_130, %mul3A_161 : i32
      %add3A_163 = arith.constant 2 : i32
      %add3A_164 = arith.addi %mul3A_162, %add3A_163 : i32
      %dma_start3A_165 = arith.constant 2 : i32
      %dma_start3A_166 = arith.constant 0 : i32
      %dma_start3A_167 = arith.constant 0 : i32
      %dma_start3A_168 = tpu.memref_slice %arg7[%dma_start3A_165, %dma_start3A_166, %dma_start3A_167] : memref<8x50x32xf32, #tpu.memory_space<vmem>> -> memref<1x50x32xf32, #tpu.memory_space<vmem>>
      %dma_start3A_169 = tpu.memref_squeeze %dma_start3A_168 : memref<1x50x32xf32, #tpu.memory_space<vmem>> -> memref<50x32xf32, #tpu.memory_space<vmem>>
      %dma_start3A_170 = arith.constant 0 : i32
      %dma_start3A_171 = tpu.memref_slice %arg5[%add3A_164, %dma_start3A_170] : memref<128x50xi32, #tpu.memory_space<vmem>> -> memref<1x50xi32, #tpu.memory_space<vmem>>
      %dma_start3A_172 = tpu.memref_squeeze %dma_start3A_171 : memref<1x50xi32, #tpu.memory_space<vmem>> -> memref<50xi32, #tpu.memory_space<vmem>>
      %dma_start3A_173 = arith.constant 0 : i32
      %dma_start3A_174 = arith.constant 0 : i32
      %dma_start3A_175 = tpu.memref_slice %arg3[%dma_start3A_173, %dma_start3A_174] : memref<1000000x32xf32, #tpu.memory_space<hbm>> -> memref<1000000x32xf32, #tpu.memory_space<hbm>>
      tpu.enqueue_indirect_dma source(%dma_start3A_175 : memref<1000000x32xf32, #tpu.memory_space<hbm>>) target(%dma_start3A_169 : memref<50x32xf32, #tpu.memory_space<vmem>>) offsets(%dma_start3A_172 : memref<50xi32, #tpu.memory_space<vmem>>) semaphore(%arg9 : memref<!tpu.dma_semaphore, #tpu.memory_space<semaphore_mem>>)
      %mul3A_176 = arith.constant 8 : i32
      %mul3A_177 = arith.muli %add3A_130, %mul3A_176 : i32
      %add3A_178 = arith.constant 3 : i32
      %add3A_179 = arith.addi %mul3A_177, %add3A_178 : i32
      %dma_start3A_180 = arith.constant 3 : i32
      %dma_start3A_181 = arith.constant 0 : i32
      %dma_start3A_182 = arith.constant 0 : i32
      %dma_start3A_183 = tpu.memref_slice %arg7[%dma_start3A_180, %dma_start3A_181, %dma_start3A_182] : memref<8x50x32xf32, #tpu.memory_space<vmem>> -> memref<1x50x32xf32, #tpu.memory_space<vmem>>
      %dma_start3A_184 = tpu.memref_squeeze %dma_start3A_183 : memref<1x50x32xf32, #tpu.memory_space<vmem>> -> memref<50x32xf32, #tpu.memory_space<vmem>>
      %dma_start3A_185 = arith.constant 0 : i32
      %dma_start3A_186 = tpu.memref_slice %arg5[%add3A_179, %dma_start3A_185] : memref<128x50xi32, #tpu.memory_space<vmem>> -> memref<1x50xi32, #tpu.memory_space<vmem>>
      %dma_start3A_187 = tpu.memref_squeeze %dma_start3A_186 : memref<1x50xi32, #tpu.memory_space<vmem>> -> memref<50xi32, #tpu.memory_space<vmem>>
      %dma_start3A_188 = arith.constant 0 : i32
      %dma_start3A_189 = arith.constant 0 : i32
      %dma_start3A_190 = tpu.memref_slice %arg3[%dma_start3A_188, %dma_start3A_189] : memref<1000000x32xf32, #tpu.memory_space<hbm>> -> memref<1000000x32xf32, #tpu.memory_space<hbm>>
      tpu.enqueue_indirect_dma source(%dma_start3A_190 : memref<1000000x32xf32, #tpu.memory_space<hbm>>) target(%dma_start3A_184 : memref<50x32xf32, #tpu.memory_space<vmem>>) offsets(%dma_start3A_187 : memref<50xi32, #tpu.memory_space<vmem>>) semaphore(%arg9 : memref<!tpu.dma_semaphore, #tpu.memory_space<semaphore_mem>>)
      %mul3A_191 = arith.constant 8 : i32
      %mul3A_192 = arith.muli %add3A_130, %mul3A_191 : i32
      %add3A_193 = arith.constant 4 : i32
      %add3A_194 = arith.addi %mul3A_192, %add3A_193 : i32
      %dma_start3A_195 = arith.constant 4 : i32
      %dma_start3A_196 = arith.constant 0 : i32
      %dma_start3A_197 = arith.constant 0 : i32
      %dma_start3A_198 = tpu.memref_slice %arg7[%dma_start3A_195, %dma_start3A_196, %dma_start3A_197] : memref<8x50x32xf32, #tpu.memory_space<vmem>> -> memref<1x50x32xf32, #tpu.memory_space<vmem>>
      %dma_start3A_199 = tpu.memref_squeeze %dma_start3A_198 : memref<1x50x32xf32, #tpu.memory_space<vmem>> -> memref<50x32xf32, #tpu.memory_space<vmem>>
      %dma_start3A_200 = arith.constant 0 : i32
      %dma_start3A_201 = tpu.memref_slice %arg5[%add3A_194, %dma_start3A_200] : memref<128x50xi32, #tpu.memory_space<vmem>> -> memref<1x50xi32, #tpu.memory_space<vmem>>
      %dma_start3A_202 = tpu.memref_squeeze %dma_start3A_201 : memref<1x50xi32, #tpu.memory_space<vmem>> -> memref<50xi32, #tpu.memory_space<vmem>>
      %dma_start3A_203 = arith.constant 0 : i32
      %dma_start3A_204 = arith.constant 0 : i32
      %dma_start3A_205 = tpu.memref_slice %arg3[%dma_start3A_203, %dma_start3A_204] : memref<1000000x32xf32, #tpu.memory_space<hbm>> -> memref<1000000x32xf32, #tpu.memory_space<hbm>>
      tpu.enqueue_indirect_dma source(%dma_start3A_205 : memref<1000000x32xf32, #tpu.memory_space<hbm>>) target(%dma_start3A_199 : memref<50x32xf32, #tpu.memory_space<vmem>>) offsets(%dma_start3A_202 : memref<50xi32, #tpu.memory_space<vmem>>) semaphore(%arg9 : memref<!tpu.dma_semaphore, #tpu.memory_space<semaphore_mem>>)
      %mul3A_206 = arith.constant 8 : i32
      %mul3A_207 = arith.muli %add3A_130, %mul3A_206 : i32
      %add3A_208 = arith.constant 5 : i32
      %add3A_209 = arith.addi %mul3A_207, %add3A_208 : i32
      %dma_start3A_210 = arith.constant 5 : i32
      %dma_start3A_211 = arith.constant 0 : i32
      %dma_start3A_212 = arith.constant 0 : i32
      %dma_start3A_213 = tpu.memref_slice %arg7[%dma_start3A_210, %dma_start3A_211, %dma_start3A_212] : memref<8x50x32xf32, #tpu.memory_space<vmem>> -> memref<1x50x32xf32, #tpu.memory_space<vmem>>
      %dma_start3A_214 = tpu.memref_squeeze %dma_start3A_213 : memref<1x50x32xf32, #tpu.memory_space<vmem>> -> memref<50x32xf32, #tpu.memory_space<vmem>>
      %dma_start3A_215 = arith.constant 0 : i32
      %dma_start3A_216 = tpu.memref_slice %arg5[%add3A_209, %dma_start3A_215] : memref<128x50xi32, #tpu.memory_space<vmem>> -> memref<1x50xi32, #tpu.memory_space<vmem>>
      %dma_start3A_217 = tpu.memref_squeeze %dma_start3A_216 : memref<1x50xi32, #tpu.memory_space<vmem>> -> memref<50xi32, #tpu.memory_space<vmem>>
      %dma_start3A_218 = arith.constant 0 : i32
      %dma_start3A_219 = arith.constant 0 : i32
      %dma_start3A_220 = tpu.memref_slice %arg3[%dma_start3A_218, %dma_start3A_219] : memref<1000000x32xf32, #tpu.memory_space<hbm>> -> memref<1000000x32xf32, #tpu.memory_space<hbm>>
      tpu.enqueue_indirect_dma source(%dma_start3A_220 : memref<1000000x32xf32, #tpu.memory_space<hbm>>) target(%dma_start3A_214 : memref<50x32xf32, #tpu.memory_space<vmem>>) offsets(%dma_start3A_217 : memref<50xi32, #tpu.memory_space<vmem>>) semaphore(%arg9 : memref<!tpu.dma_semaphore, #tpu.memory_space<semaphore_mem>>)
      %mul3A_221 = arith.constant 8 : i32
      %mul3A_222 = arith.muli %add3A_130, %mul3A_221 : i32
      %add3A_223 = arith.constant 6 : i32
      %add3A_224 = arith.addi %mul3A_222, %add3A_223 : i32
      %dma_start3A_225 = arith.constant 6 : i32
      %dma_start3A_226 = arith.constant 0 : i32
      %dma_start3A_227 = arith.constant 0 : i32
      %dma_start3A_228 = tpu.memref_slice %arg7[%dma_start3A_225, %dma_start3A_226, %dma_start3A_227] : memref<8x50x32xf32, #tpu.memory_space<vmem>> -> memref<1x50x32xf32, #tpu.memory_space<vmem>>
      %dma_start3A_229 = tpu.memref_squeeze %dma_start3A_228 : memref<1x50x32xf32, #tpu.memory_space<vmem>> -> memref<50x32xf32, #tpu.memory_space<vmem>>
      %dma_start3A_230 = arith.constant 0 : i32
      %dma_start3A_231 = tpu.memref_slice %arg5[%add3A_224, %dma_start3A_230] : memref<128x50xi32, #tpu.memory_space<vmem>> -> memref<1x50xi32, #tpu.memory_space<vmem>>
      %dma_start3A_232 = tpu.memref_squeeze %dma_start3A_231 : memref<1x50xi32, #tpu.memory_space<vmem>> -> memref<50xi32, #tpu.memory_space<vmem>>
      %dma_start3A_233 = arith.constant 0 : i32
      %dma_start3A_234 = arith.constant 0 : i32
      %dma_start3A_235 = tpu.memref_slice %arg3[%dma_start3A_233, %dma_start3A_234] : memref<1000000x32xf32, #tpu.memory_space<hbm>> -> memref<1000000x32xf32, #tpu.memory_space<hbm>>
      tpu.enqueue_indirect_dma source(%dma_start3A_235 : memref<1000000x32xf32, #tpu.memory_space<hbm>>) target(%dma_start3A_229 : memref<50x32xf32, #tpu.memory_space<vmem>>) offsets(%dma_start3A_232 : memref<50xi32, #tpu.memory_space<vmem>>) semaphore(%arg9 : memref<!tpu.dma_semaphore, #tpu.memory_space<semaphore_mem>>)
      %mul3A_236 = arith.constant 8 : i32
      %mul3A_237 = arith.muli %add3A_130, %mul3A_236 : i32
      %add3A_238 = arith.constant 7 : i32
      %add3A_239 = arith.addi %mul3A_237, %add3A_238 : i32
      %dma_start3A_240 = arith.constant 7 : i32
      %dma_start3A_241 = arith.constant 0 : i32
      %dma_start3A_242 = arith.constant 0 : i32
      %dma_start3A_243 = tpu.memref_slice %arg7[%dma_start3A_240, %dma_start3A_241, %dma_start3A_242] : memref<8x50x32xf32, #tpu.memory_space<vmem>> -> memref<1x50x32xf32, #tpu.memory_space<vmem>>
      %dma_start3A_244 = tpu.memref_squeeze %dma_start3A_243 : memref<1x50x32xf32, #tpu.memory_space<vmem>> -> memref<50x32xf32, #tpu.memory_space<vmem>>
      %dma_start3A_245 = arith.constant 0 : i32
      %dma_start3A_246 = tpu.memref_slice %arg5[%add3A_239, %dma_start3A_245] : memref<128x50xi32, #tpu.memory_space<vmem>> -> memref<1x50xi32, #tpu.memory_space<vmem>>
      %dma_start3A_247 = tpu.memref_squeeze %dma_start3A_246 : memref<1x50xi32, #tpu.memory_space<vmem>> -> memref<50xi32, #tpu.memory_space<vmem>>
      %dma_start3A_248 = arith.constant 0 : i32
      %dma_start3A_249 = arith.constant 0 : i32
      %dma_start3A_250 = tpu.memref_slice %arg3[%dma_start3A_248, %dma_start3A_249] : memref<1000000x32xf32, #tpu.memory_space<hbm>> -> memref<1000000x32xf32, #tpu.memory_space<hbm>>
      tpu.enqueue_indirect_dma source(%dma_start3A_250 : memref<1000000x32xf32, #tpu.memory_space<hbm>>) target(%dma_start3A_244 : memref<50x32xf32, #tpu.memory_space<vmem>>) offsets(%dma_start3A_247 : memref<50xi32, #tpu.memory_space<vmem>>) semaphore(%arg9 : memref<!tpu.dma_semaphore, #tpu.memory_space<semaphore_mem>>)
      %dma_wait3A = arith.constant 0 : i32
      %dma_wait3A_251 = arith.constant 0 : i32
      %dma_wait3A_252 = arith.constant 0 : i32
      %dma_wait3A_253 = tpu.memref_slice %arg6[%dma_wait3A, %dma_wait3A_251, %dma_wait3A_252] : memref<8x50x32xf32, #tpu.memory_space<vmem>> -> memref<1x50x32xf32, #tpu.memory_space<vmem>>
      %dma_wait3A_254 = tpu.memref_squeeze %dma_wait3A_253 : memref<1x50x32xf32, #tpu.memory_space<vmem>> -> memref<50x32xf32, #tpu.memory_space<vmem>>
      %dma_wait3A_255 = arith.constant 0 : i32
      %dma_wait3A_256 = tpu.memref_slice %arg5[%add3A_13, %dma_wait3A_255] : memref<128x50xi32, #tpu.memory_space<vmem>> -> memref<1x50xi32, #tpu.memory_space<vmem>>
      %dma_wait3A_257 = tpu.memref_squeeze %dma_wait3A_256 : memref<1x50xi32, #tpu.memory_space<vmem>> -> memref<50xi32, #tpu.memory_space<vmem>>
      %dma_wait3A_258 = arith.constant 0 : i32
      %dma_wait3A_259 = arith.constant 0 : i32
      %dma_wait3A_260 = tpu.memref_slice %arg3[%dma_wait3A_258, %dma_wait3A_259] : memref<1000000x32xf32, #tpu.memory_space<hbm>> -> memref<1000000x32xf32, #tpu.memory_space<hbm>>
      tpu.wait_indirect_dma semaphore(%arg8 : memref<!tpu.dma_semaphore, #tpu.memory_space<semaphore_mem>>) src(%dma_wait3A_260 : memref<1000000x32xf32, #tpu.memory_space<hbm>>) dst(%dma_wait3A_254 : memref<50x32xf32, #tpu.memory_space<vmem>>)
      %dma_wait3A_261 = arith.constant 1 : i32
      %dma_wait3A_262 = arith.constant 0 : i32
      %dma_wait3A_263 = arith.constant 0 : i32
      %dma_wait3A_264 = tpu.memref_slice %arg6[%dma_wait3A_261, %dma_wait3A_262, %dma_wait3A_263] : memref<8x50x32xf32, #tpu.memory_space<vmem>> -> memref<1x50x32xf32, #tpu.memory_space<vmem>>
      %dma_wait3A_265 = tpu.memref_squeeze %dma_wait3A_264 : memref<1x50x32xf32, #tpu.memory_space<vmem>> -> memref<50x32xf32, #tpu.memory_space<vmem>>
      %dma_wait3A_266 = arith.constant 0 : i32
      %dma_wait3A_267 = tpu.memref_slice %arg5[%add3A_27, %dma_wait3A_266] : memref<128x50xi32, #tpu.memory_space<vmem>> -> memref<1x50xi32, #tpu.memory_space<vmem>>
      %dma_wait3A_268 = tpu.memref_squeeze %dma_wait3A_267 : memref<1x50xi32, #tpu.memory_space<vmem>> -> memref<50xi32, #tpu.memory_space<vmem>>
      %dma_wait3A_269 = arith.constant 0 : i32
      %dma_wait3A_270 = arith.constant 0 : i32
      %dma_wait3A_271 = tpu.memref_slice %arg3[%dma_wait3A_269, %dma_wait3A_270] : memref<1000000x32xf32, #tpu.memory_space<hbm>> -> memref<1000000x32xf32, #tpu.memory_space<hbm>>
      tpu.wait_indirect_dma semaphore(%arg8 : memref<!tpu.dma_semaphore, #tpu.memory_space<semaphore_mem>>) src(%dma_wait3A_271 : memref<1000000x32xf32, #tpu.memory_space<hbm>>) dst(%dma_wait3A_265 : memref<50x32xf32, #tpu.memory_space<vmem>>)
      %dma_wait3A_272 = arith.constant 2 : i32
      %dma_wait3A_273 = arith.constant 0 : i32
      %dma_wait3A_274 = arith.constant 0 : i32
      %dma_wait3A_275 = tpu.memref_slice %arg6[%dma_wait3A_272, %dma_wait3A_273, %dma_wait3A_274] : memref<8x50x32xf32, #tpu.memory_space<vmem>> -> memref<1x50x32xf32, #tpu.memory_space<vmem>>
      %dma_wait3A_276 = tpu.memref_squeeze %dma_wait3A_275 : memref<1x50x32xf32, #tpu.memory_space<vmem>> -> memref<50x32xf32, #tpu.memory_space<vmem>>
      %dma_wait3A_277 = arith.constant 0 : i32
      %dma_wait3A_278 = tpu.memref_slice %arg5[%add3A_42, %dma_wait3A_277] : memref<128x50xi32, #tpu.memory_space<vmem>> -> memref<1x50xi32, #tpu.memory_space<vmem>>
      %dma_wait3A_279 = tpu.memref_squeeze %dma_wait3A_278 : memref<1x50xi32, #tpu.memory_space<vmem>> -> memref<50xi32, #tpu.memory_space<vmem>>
      %dma_wait3A_280 = arith.constant 0 : i32
      %dma_wait3A_281 = arith.constant 0 : i32
      %dma_wait3A_282 = tpu.memref_slice %arg3[%dma_wait3A_280, %dma_wait3A_281] : memref<1000000x32xf32, #tpu.memory_space<hbm>> -> memref<1000000x32xf32, #tpu.memory_space<hbm>>
      tpu.wait_indirect_dma semaphore(%arg8 : memref<!tpu.dma_semaphore, #tpu.memory_space<semaphore_mem>>) src(%dma_wait3A_282 : memref<1000000x32xf32, #tpu.memory_space<hbm>>) dst(%dma_wait3A_276 : memref<50x32xf32, #tpu.memory_space<vmem>>)
      %dma_wait3A_283 = arith.constant 3 : i32
      %dma_wait3A_284 = arith.constant 0 : i32
      %dma_wait3A_285 = arith.constant 0 : i32
      %dma_wait3A_286 = tpu.memref_slice %arg6[%dma_wait3A_283, %dma_wait3A_284, %dma_wait3A_285] : memref<8x50x32xf32, #tpu.memory_space<vmem>> -> memref<1x50x32xf32, #tpu.memory_space<vmem>>
      %dma_wait3A_287 = tpu.memref_squeeze %dma_wait3A_286 : memref<1x50x32xf32, #tpu.memory_space<vmem>> -> memref<50x32xf32, #tpu.memory_space<vmem>>
      %dma_wait3A_288 = arith.constant 0 : i32
      %dma_wait3A_289 = tpu.memref_slice %arg5[%add3A_57, %dma_wait3A_288] : memref<128x50xi32, #tpu.memory_space<vmem>> -> memref<1x50xi32, #tpu.memory_space<vmem>>
      %dma_wait3A_290 = tpu.memref_squeeze %dma_wait3A_289 : memref<1x50xi32, #tpu.memory_space<vmem>> -> memref<50xi32, #tpu.memory_space<vmem>>
      %dma_wait3A_291 = arith.constant 0 : i32
      %dma_wait3A_292 = arith.constant 0 : i32
      %dma_wait3A_293 = tpu.memref_slice %arg3[%dma_wait3A_291, %dma_wait3A_292] : memref<1000000x32xf32, #tpu.memory_space<hbm>> -> memref<1000000x32xf32, #tpu.memory_space<hbm>>
      tpu.wait_indirect_dma semaphore(%arg8 : memref<!tpu.dma_semaphore, #tpu.memory_space<semaphore_mem>>) src(%dma_wait3A_293 : memref<1000000x32xf32, #tpu.memory_space<hbm>>) dst(%dma_wait3A_287 : memref<50x32xf32, #tpu.memory_space<vmem>>)
      %dma_wait3A_294 = arith.constant 4 : i32
      %dma_wait3A_295 = arith.constant 0 : i32
      %dma_wait3A_296 = arith.constant 0 : i32
      %dma_wait3A_297 = tpu.memref_slice %arg6[%dma_wait3A_294, %dma_wait3A_295, %dma_wait3A_296] : memref<8x50x32xf32, #tpu.memory_space<vmem>> -> memref<1x50x32xf32, #tpu.memory_space<vmem>>
      %dma_wait3A_298 = tpu.memref_squeeze %dma_wait3A_297 : memref<1x50x32xf32, #tpu.memory_space<vmem>> -> memref<50x32xf32, #tpu.memory_space<vmem>>
      %dma_wait3A_299 = arith.constant 0 : i32
      %dma_wait3A_300 = tpu.memref_slice %arg5[%add3A_72, %dma_wait3A_299] : memref<128x50xi32, #tpu.memory_space<vmem>> -> memref<1x50xi32, #tpu.memory_space<vmem>>
      %dma_wait3A_301 = tpu.memref_squeeze %dma_wait3A_300 : memref<1x50xi32, #tpu.memory_space<vmem>> -> memref<50xi32, #tpu.memory_space<vmem>>
      %dma_wait3A_302 = arith.constant 0 : i32
      %dma_wait3A_303 = arith.constant 0 : i32
      %dma_wait3A_304 = tpu.memref_slice %arg3[%dma_wait3A_302, %dma_wait3A_303] : memref<1000000x32xf32, #tpu.memory_space<hbm>> -> memref<1000000x32xf32, #tpu.memory_space<hbm>>
      tpu.wait_indirect_dma semaphore(%arg8 : memref<!tpu.dma_semaphore, #tpu.memory_space<semaphore_mem>>) src(%dma_wait3A_304 : memref<1000000x32xf32, #tpu.memory_space<hbm>>) dst(%dma_wait3A_298 : memref<50x32xf32, #tpu.memory_space<vmem>>)
      %dma_wait3A_305 = arith.constant 5 : i32
      %dma_wait3A_306 = arith.constant 0 : i32
      %dma_wait3A_307 = arith.constant 0 : i32
      %dma_wait3A_308 = tpu.memref_slice %arg6[%dma_wait3A_305, %dma_wait3A_306, %dma_wait3A_307] : memref<8x50x32xf32, #tpu.memory_space<vmem>> -> memref<1x50x32xf32, #tpu.memory_space<vmem>>
      %dma_wait3A_309 = tpu.memref_squeeze %dma_wait3A_308 : memref<1x50x32xf32, #tpu.memory_space<vmem>> -> memref<50x32xf32, #tpu.memory_space<vmem>>
      %dma_wait3A_310 = arith.constant 0 : i32
      %dma_wait3A_311 = tpu.memref_slice %arg5[%add3A_87, %dma_wait3A_310] : memref<128x50xi32, #tpu.memory_space<vmem>> -> memref<1x50xi32, #tpu.memory_space<vmem>>
      %dma_wait3A_312 = tpu.memref_squeeze %dma_wait3A_311 : memref<1x50xi32, #tpu.memory_space<vmem>> -> memref<50xi32, #tpu.memory_space<vmem>>
      %dma_wait3A_313 = arith.constant 0 : i32
      %dma_wait3A_314 = arith.constant 0 : i32
      %dma_wait3A_315 = tpu.memref_slice %arg3[%dma_wait3A_313, %dma_wait3A_314] : memref<1000000x32xf32, #tpu.memory_space<hbm>> -> memref<1000000x32xf32, #tpu.memory_space<hbm>>
      tpu.wait_indirect_dma semaphore(%arg8 : memref<!tpu.dma_semaphore, #tpu.memory_space<semaphore_mem>>) src(%dma_wait3A_315 : memref<1000000x32xf32, #tpu.memory_space<hbm>>) dst(%dma_wait3A_309 : memref<50x32xf32, #tpu.memory_space<vmem>>)
      %dma_wait3A_316 = arith.constant 6 : i32
      %dma_wait3A_317 = arith.constant 0 : i32
      %dma_wait3A_318 = arith.constant 0 : i32
      %dma_wait3A_319 = tpu.memref_slice %arg6[%dma_wait3A_316, %dma_wait3A_317, %dma_wait3A_318] : memref<8x50x32xf32, #tpu.memory_space<vmem>> -> memref<1x50x32xf32, #tpu.memory_space<vmem>>
      %dma_wait3A_320 = tpu.memref_squeeze %dma_wait3A_319 : memref<1x50x32xf32, #tpu.memory_space<vmem>> -> memref<50x32xf32, #tpu.memory_space<vmem>>
      %dma_wait3A_321 = arith.constant 0 : i32
      %dma_wait3A_322 = tpu.memref_slice %arg5[%add3A_102, %dma_wait3A_321] : memref<128x50xi32, #tpu.memory_space<vmem>> -> memref<1x50xi32, #tpu.memory_space<vmem>>
      %dma_wait3A_323 = tpu.memref_squeeze %dma_wait3A_322 : memref<1x50xi32, #tpu.memory_space<vmem>> -> memref<50xi32, #tpu.memory_space<vmem>>
      %dma_wait3A_324 = arith.constant 0 : i32
      %dma_wait3A_325 = arith.constant 0 : i32
      %dma_wait3A_326 = tpu.memref_slice %arg3[%dma_wait3A_324, %dma_wait3A_325] : memref<1000000x32xf32, #tpu.memory_space<hbm>> -> memref<1000000x32xf32, #tpu.memory_space<hbm>>
      tpu.wait_indirect_dma semaphore(%arg8 : memref<!tpu.dma_semaphore, #tpu.memory_space<semaphore_mem>>) src(%dma_wait3A_326 : memref<1000000x32xf32, #tpu.memory_space<hbm>>) dst(%dma_wait3A_320 : memref<50x32xf32, #tpu.memory_space<vmem>>)
      %dma_wait3A_327 = arith.constant 7 : i32
      %dma_wait3A_328 = arith.constant 0 : i32
      %dma_wait3A_329 = arith.constant 0 : i32
      %dma_wait3A_330 = tpu.memref_slice %arg6[%dma_wait3A_327, %dma_wait3A_328, %dma_wait3A_329] : memref<8x50x32xf32, #tpu.memory_space<vmem>> -> memref<1x50x32xf32, #tpu.memory_space<vmem>>
      %dma_wait3A_331 = tpu.memref_squeeze %dma_wait3A_330 : memref<1x50x32xf32, #tpu.memory_space<vmem>> -> memref<50x32xf32, #tpu.memory_space<vmem>>
      %dma_wait3A_332 = arith.constant 0 : i32
      %dma_wait3A_333 = tpu.memref_slice %arg5[%add3A_117, %dma_wait3A_332] : memref<128x50xi32, #tpu.memory_space<vmem>> -> memref<1x50xi32, #tpu.memory_space<vmem>>
      %dma_wait3A_334 = tpu.memref_squeeze %dma_wait3A_333 : memref<1x50xi32, #tpu.memory_space<vmem>> -> memref<50xi32, #tpu.memory_space<vmem>>
      %dma_wait3A_335 = arith.constant 0 : i32
      %dma_wait3A_336 = arith.constant 0 : i32
      %dma_wait3A_337 = tpu.memref_slice %arg3[%dma_wait3A_335, %dma_wait3A_336] : memref<1000000x32xf32, #tpu.memory_space<hbm>> -> memref<1000000x32xf32, #tpu.memory_space<hbm>>
      tpu.wait_indirect_dma semaphore(%arg8 : memref<!tpu.dma_semaphore, #tpu.memory_space<semaphore_mem>>) src(%dma_wait3A_337 : memref<1000000x32xf32, #tpu.memory_space<hbm>>) dst(%dma_wait3A_331 : memref<50x32xf32, #tpu.memory_space<vmem>>)
      %mul3A_338 = arith.constant 8 : i32
      %mul3A_339 = arith.muli %mul3A_9, %mul3A_338 : i32
      %add3A_340 = arith.addi %mul3A_2, %mul3A_339 : i32
      "tpu.region"() ({
        %run_scoped3A = tpu.sem_alloc : memref<!tpu.dma_semaphore, #tpu.memory_space<semaphore_mem>>
        %dma_start3A_434 = arith.constant 0 : i32
        %dma_start3A_435 = arith.constant 0 : i32
        %dma_start3A_436 = tpu.memref_slice %arg4[%add3A_340, %dma_start3A_434, %dma_start3A_435] : memref<4096x50x32xf32, #tpu.memory_space<hbm>> -> memref<8x50x32xf32, #tpu.memory_space<hbm>>
        %dma_start3A_437 = arith.constant 0 : i32
        %dma_start3A_438 = arith.constant 0 : i32
        %dma_start3A_439 = tpu.memref_slice %arg4[%add3A_340, %dma_start3A_437, %dma_start3A_438] : memref<4096x50x32xf32, #tpu.memory_space<hbm>> -> memref<8x50x32xf32, #tpu.memory_space<hbm>>
        tpu.enqueue_dma source(%arg6 : memref<8x50x32xf32, #tpu.memory_space<vmem>>) target(%dma_start3A_439 : memref<8x50x32xf32, #tpu.memory_space<hbm>>) target_semaphore(%run_scoped3A : memref<!tpu.dma_semaphore, #tpu.memory_space<semaphore_mem>>)
        %dma_wait3A_440 = arith.constant 0 : i32
        %dma_wait3A_441 = arith.constant 0 : i32
        %dma_wait3A_442 = tpu.memref_slice %arg4[%add3A_340, %dma_wait3A_440, %dma_wait3A_441] : memref<4096x50x32xf32, #tpu.memory_space<hbm>> -> memref<8x50x32xf32, #tpu.memory_space<hbm>>
        %dma_wait3A_443 = arith.constant 0 : i32
        %dma_wait3A_444 = arith.constant 0 : i32
        %dma_wait3A_445 = tpu.memref_slice %arg4[%add3A_340, %dma_wait3A_443, %dma_wait3A_444] : memref<4096x50x32xf32, #tpu.memory_space<hbm>> -> memref<8x50x32xf32, #tpu.memory_space<hbm>>
        tpu.wait_dma2 semaphore(%run_scoped3A : memref<!tpu.dma_semaphore, #tpu.memory_space<semaphore_mem>>) src(%arg6 : memref<8x50x32xf32, #tpu.memory_space<vmem>>) dst(%dma_wait3A_445 : memref<8x50x32xf32, #tpu.memory_space<hbm>>)
        tpu.yield
      }) : () -> ()
      %add3A_341 = arith.constant 1 : i32
      %add3A_342 = arith.addi %mul3A_9, %add3A_341 : i32
      %dma_wait3A_343 = arith.constant 0 : i32
      %dma_wait3A_344 = arith.constant 0 : i32
      %dma_wait3A_345 = arith.constant 0 : i32
      %dma_wait3A_346 = tpu.memref_slice %arg7[%dma_wait3A_343, %dma_wait3A_344, %dma_wait3A_345] : memref<8x50x32xf32, #tpu.memory_space<vmem>> -> memref<1x50x32xf32, #tpu.memory_space<vmem>>
      %dma_wait3A_347 = tpu.memref_squeeze %dma_wait3A_346 : memref<1x50x32xf32, #tpu.memory_space<vmem>> -> memref<50x32xf32, #tpu.memory_space<vmem>>
      %dma_wait3A_348 = arith.constant 0 : i32
      %dma_wait3A_349 = tpu.memref_slice %arg5[%add3A_134, %dma_wait3A_348] : memref<128x50xi32, #tpu.memory_space<vmem>> -> memref<1x50xi32, #tpu.memory_space<vmem>>
      %dma_wait3A_350 = tpu.memref_squeeze %dma_wait3A_349 : memref<1x50xi32, #tpu.memory_space<vmem>> -> memref<50xi32, #tpu.memory_space<vmem>>
      %dma_wait3A_351 = arith.constant 0 : i32
      %dma_wait3A_352 = arith.constant 0 : i32
      %dma_wait3A_353 = tpu.memref_slice %arg3[%dma_wait3A_351, %dma_wait3A_352] : memref<1000000x32xf32, #tpu.memory_space<hbm>> -> memref<1000000x32xf32, #tpu.memory_space<hbm>>
      tpu.wait_indirect_dma semaphore(%arg9 : memref<!tpu.dma_semaphore, #tpu.memory_space<semaphore_mem>>) src(%dma_wait3A_353 : memref<1000000x32xf32, #tpu.memory_space<hbm>>) dst(%dma_wait3A_347 : memref<50x32xf32, #tpu.memory_space<vmem>>)
      %dma_wait3A_354 = arith.constant 1 : i32
      %dma_wait3A_355 = arith.constant 0 : i32
      %dma_wait3A_356 = arith.constant 0 : i32
      %dma_wait3A_357 = tpu.memref_slice %arg7[%dma_wait3A_354, %dma_wait3A_355, %dma_wait3A_356] : memref<8x50x32xf32, #tpu.memory_space<vmem>> -> memref<1x50x32xf32, #tpu.memory_space<vmem>>
      %dma_wait3A_358 = tpu.memref_squeeze %dma_wait3A_357 : memref<1x50x32xf32, #tpu.memory_space<vmem>> -> memref<50x32xf32, #tpu.memory_space<vmem>>
      %dma_wait3A_359 = arith.constant 0 : i32
      %dma_wait3A_360 = tpu.memref_slice %arg5[%add3A_149, %dma_wait3A_359] : memref<128x50xi32, #tpu.memory_space<vmem>> -> memref<1x50xi32, #tpu.memory_space<vmem>>
      %dma_wait3A_361 = tpu.memref_squeeze %dma_wait3A_360 : memref<1x50xi32, #tpu.memory_space<vmem>> -> memref<50xi32, #tpu.memory_space<vmem>>
      %dma_wait3A_362 = arith.constant 0 : i32
      %dma_wait3A_363 = arith.constant 0 : i32
      %dma_wait3A_364 = tpu.memref_slice %arg3[%dma_wait3A_362, %dma_wait3A_363] : memref<1000000x32xf32, #tpu.memory_space<hbm>> -> memref<1000000x32xf32, #tpu.memory_space<hbm>>
      tpu.wait_indirect_dma semaphore(%arg9 : memref<!tpu.dma_semaphore, #tpu.memory_space<semaphore_mem>>) src(%dma_wait3A_364 : memref<1000000x32xf32, #tpu.memory_space<hbm>>) dst(%dma_wait3A_358 : memref<50x32xf32, #tpu.memory_space<vmem>>)
      %dma_wait3A_365 = arith.constant 2 : i32
      %dma_wait3A_366 = arith.constant 0 : i32
      %dma_wait3A_367 = arith.constant 0 : i32
      %dma_wait3A_368 = tpu.memref_slice %arg7[%dma_wait3A_365, %dma_wait3A_366, %dma_wait3A_367] : memref<8x50x32xf32, #tpu.memory_space<vmem>> -> memref<1x50x32xf32, #tpu.memory_space<vmem>>
      %dma_wait3A_369 = tpu.memref_squeeze %dma_wait3A_368 : memref<1x50x32xf32, #tpu.memory_space<vmem>> -> memref<50x32xf32, #tpu.memory_space<vmem>>
      %dma_wait3A_370 = arith.constant 0 : i32
      %dma_wait3A_371 = tpu.memref_slice %arg5[%add3A_164, %dma_wait3A_370] : memref<128x50xi32, #tpu.memory_space<vmem>> -> memref<1x50xi32, #tpu.memory_space<vmem>>
      %dma_wait3A_372 = tpu.memref_squeeze %dma_wait3A_371 : memref<1x50xi32, #tpu.memory_space<vmem>> -> memref<50xi32, #tpu.memory_space<vmem>>
      %dma_wait3A_373 = arith.constant 0 : i32
      %dma_wait3A_374 = arith.constant 0 : i32
      %dma_wait3A_375 = tpu.memref_slice %arg3[%dma_wait3A_373, %dma_wait3A_374] : memref<1000000x32xf32, #tpu.memory_space<hbm>> -> memref<1000000x32xf32, #tpu.memory_space<hbm>>
      tpu.wait_indirect_dma semaphore(%arg9 : memref<!tpu.dma_semaphore, #tpu.memory_space<semaphore_mem>>) src(%dma_wait3A_375 : memref<1000000x32xf32, #tpu.memory_space<hbm>>) dst(%dma_wait3A_369 : memref<50x32xf32, #tpu.memory_space<vmem>>)
      %dma_wait3A_376 = arith.constant 3 : i32
      %dma_wait3A_377 = arith.constant 0 : i32
      %dma_wait3A_378 = arith.constant 0 : i32
      %dma_wait3A_379 = tpu.memref_slice %arg7[%dma_wait3A_376, %dma_wait3A_377, %dma_wait3A_378] : memref<8x50x32xf32, #tpu.memory_space<vmem>> -> memref<1x50x32xf32, #tpu.memory_space<vmem>>
      %dma_wait3A_380 = tpu.memref_squeeze %dma_wait3A_379 : memref<1x50x32xf32, #tpu.memory_space<vmem>> -> memref<50x32xf32, #tpu.memory_space<vmem>>
      %dma_wait3A_381 = arith.constant 0 : i32
      %dma_wait3A_382 = tpu.memref_slice %arg5[%add3A_179, %dma_wait3A_381] : memref<128x50xi32, #tpu.memory_space<vmem>> -> memref<1x50xi32, #tpu.memory_space<vmem>>
      %dma_wait3A_383 = tpu.memref_squeeze %dma_wait3A_382 : memref<1x50xi32, #tpu.memory_space<vmem>> -> memref<50xi32, #tpu.memory_space<vmem>>
      %dma_wait3A_384 = arith.constant 0 : i32
      %dma_wait3A_385 = arith.constant 0 : i32
      %dma_wait3A_386 = tpu.memref_slice %arg3[%dma_wait3A_384, %dma_wait3A_385] : memref<1000000x32xf32, #tpu.memory_space<hbm>> -> memref<1000000x32xf32, #tpu.memory_space<hbm>>
      tpu.wait_indirect_dma semaphore(%arg9 : memref<!tpu.dma_semaphore, #tpu.memory_space<semaphore_mem>>) src(%dma_wait3A_386 : memref<1000000x32xf32, #tpu.memory_space<hbm>>) dst(%dma_wait3A_380 : memref<50x32xf32, #tpu.memory_space<vmem>>)
      %dma_wait3A_387 = arith.constant 4 : i32
      %dma_wait3A_388 = arith.constant 0 : i32
      %dma_wait3A_389 = arith.constant 0 : i32
      %dma_wait3A_390 = tpu.memref_slice %arg7[%dma_wait3A_387, %dma_wait3A_388, %dma_wait3A_389] : memref<8x50x32xf32, #tpu.memory_space<vmem>> -> memref<1x50x32xf32, #tpu.memory_space<vmem>>
      %dma_wait3A_391 = tpu.memref_squeeze %dma_wait3A_390 : memref<1x50x32xf32, #tpu.memory_space<vmem>> -> memref<50x32xf32, #tpu.memory_space<vmem>>
      %dma_wait3A_392 = arith.constant 0 : i32
      %dma_wait3A_393 = tpu.memref_slice %arg5[%add3A_194, %dma_wait3A_392] : memref<128x50xi32, #tpu.memory_space<vmem>> -> memref<1x50xi32, #tpu.memory_space<vmem>>
      %dma_wait3A_394 = tpu.memref_squeeze %dma_wait3A_393 : memref<1x50xi32, #tpu.memory_space<vmem>> -> memref<50xi32, #tpu.memory_space<vmem>>
      %dma_wait3A_395 = arith.constant 0 : i32
      %dma_wait3A_396 = arith.constant 0 : i32
      %dma_wait3A_397 = tpu.memref_slice %arg3[%dma_wait3A_395, %dma_wait3A_396] : memref<1000000x32xf32, #tpu.memory_space<hbm>> -> memref<1000000x32xf32, #tpu.memory_space<hbm>>
      tpu.wait_indirect_dma semaphore(%arg9 : memref<!tpu.dma_semaphore, #tpu.memory_space<semaphore_mem>>) src(%dma_wait3A_397 : memref<1000000x32xf32, #tpu.memory_space<hbm>>) dst(%dma_wait3A_391 : memref<50x32xf32, #tpu.memory_space<vmem>>)
      %dma_wait3A_398 = arith.constant 5 : i32
      %dma_wait3A_399 = arith.constant 0 : i32
      %dma_wait3A_400 = arith.constant 0 : i32
      %dma_wait3A_401 = tpu.memref_slice %arg7[%dma_wait3A_398, %dma_wait3A_399, %dma_wait3A_400] : memref<8x50x32xf32, #tpu.memory_space<vmem>> -> memref<1x50x32xf32, #tpu.memory_space<vmem>>
      %dma_wait3A_402 = tpu.memref_squeeze %dma_wait3A_401 : memref<1x50x32xf32, #tpu.memory_space<vmem>> -> memref<50x32xf32, #tpu.memory_space<vmem>>
      %dma_wait3A_403 = arith.constant 0 : i32
      %dma_wait3A_404 = tpu.memref_slice %arg5[%add3A_209, %dma_wait3A_403] : memref<128x50xi32, #tpu.memory_space<vmem>> -> memref<1x50xi32, #tpu.memory_space<vmem>>
      %dma_wait3A_405 = tpu.memref_squeeze %dma_wait3A_404 : memref<1x50xi32, #tpu.memory_space<vmem>> -> memref<50xi32, #tpu.memory_space<vmem>>
      %dma_wait3A_406 = arith.constant 0 : i32
      %dma_wait3A_407 = arith.constant 0 : i32
      %dma_wait3A_408 = tpu.memref_slice %arg3[%dma_wait3A_406, %dma_wait3A_407] : memref<1000000x32xf32, #tpu.memory_space<hbm>> -> memref<1000000x32xf32, #tpu.memory_space<hbm>>
      tpu.wait_indirect_dma semaphore(%arg9 : memref<!tpu.dma_semaphore, #tpu.memory_space<semaphore_mem>>) src(%dma_wait3A_408 : memref<1000000x32xf32, #tpu.memory_space<hbm>>) dst(%dma_wait3A_402 : memref<50x32xf32, #tpu.memory_space<vmem>>)
      %dma_wait3A_409 = arith.constant 6 : i32
      %dma_wait3A_410 = arith.constant 0 : i32
      %dma_wait3A_411 = arith.constant 0 : i32
      %dma_wait3A_412 = tpu.memref_slice %arg7[%dma_wait3A_409, %dma_wait3A_410, %dma_wait3A_411] : memref<8x50x32xf32, #tpu.memory_space<vmem>> -> memref<1x50x32xf32, #tpu.memory_space<vmem>>
      %dma_wait3A_413 = tpu.memref_squeeze %dma_wait3A_412 : memref<1x50x32xf32, #tpu.memory_space<vmem>> -> memref<50x32xf32, #tpu.memory_space<vmem>>
      %dma_wait3A_414 = arith.constant 0 : i32
      %dma_wait3A_415 = tpu.memref_slice %arg5[%add3A_224, %dma_wait3A_414] : memref<128x50xi32, #tpu.memory_space<vmem>> -> memref<1x50xi32, #tpu.memory_space<vmem>>
      %dma_wait3A_416 = tpu.memref_squeeze %dma_wait3A_415 : memref<1x50xi32, #tpu.memory_space<vmem>> -> memref<50xi32, #tpu.memory_space<vmem>>
      %dma_wait3A_417 = arith.constant 0 : i32
      %dma_wait3A_418 = arith.constant 0 : i32
      %dma_wait3A_419 = tpu.memref_slice %arg3[%dma_wait3A_417, %dma_wait3A_418] : memref<1000000x32xf32, #tpu.memory_space<hbm>> -> memref<1000000x32xf32, #tpu.memory_space<hbm>>
      tpu.wait_indirect_dma semaphore(%arg9 : memref<!tpu.dma_semaphore, #tpu.memory_space<semaphore_mem>>) src(%dma_wait3A_419 : memref<1000000x32xf32, #tpu.memory_space<hbm>>) dst(%dma_wait3A_413 : memref<50x32xf32, #tpu.memory_space<vmem>>)
      %dma_wait3A_420 = arith.constant 7 : i32
      %dma_wait3A_421 = arith.constant 0 : i32
      %dma_wait3A_422 = arith.constant 0 : i32
      %dma_wait3A_423 = tpu.memref_slice %arg7[%dma_wait3A_420, %dma_wait3A_421, %dma_wait3A_422] : memref<8x50x32xf32, #tpu.memory_space<vmem>> -> memref<1x50x32xf32, #tpu.memory_space<vmem>>
      %dma_wait3A_424 = tpu.memref_squeeze %dma_wait3A_423 : memref<1x50x32xf32, #tpu.memory_space<vmem>> -> memref<50x32xf32, #tpu.memory_space<vmem>>
      %dma_wait3A_425 = arith.constant 0 : i32
      %dma_wait3A_426 = tpu.memref_slice %arg5[%add3A_239, %dma_wait3A_425] : memref<128x50xi32, #tpu.memory_space<vmem>> -> memref<1x50xi32, #tpu.memory_space<vmem>>
      %dma_wait3A_427 = tpu.memref_squeeze %dma_wait3A_426 : memref<1x50xi32, #tpu.memory_space<vmem>> -> memref<50xi32, #tpu.memory_space<vmem>>
      %dma_wait3A_428 = arith.constant 0 : i32
      %dma_wait3A_429 = arith.constant 0 : i32
      %dma_wait3A_430 = tpu.memref_slice %arg3[%dma_wait3A_428, %dma_wait3A_429] : memref<1000000x32xf32, #tpu.memory_space<hbm>> -> memref<1000000x32xf32, #tpu.memory_space<hbm>>
      tpu.wait_indirect_dma semaphore(%arg9 : memref<!tpu.dma_semaphore, #tpu.memory_space<semaphore_mem>>) src(%dma_wait3A_430 : memref<1000000x32xf32, #tpu.memory_space<hbm>>) dst(%dma_wait3A_424 : memref<50x32xf32, #tpu.memory_space<vmem>>)
      %mul3A_431 = arith.constant 8 : i32
      %mul3A_432 = arith.muli %add3A_342, %mul3A_431 : i32
      %add3A_433 = arith.addi %mul3A_2, %mul3A_432 : i32
      "tpu.region"() ({
        %run_scoped3A = tpu.sem_alloc : memref<!tpu.dma_semaphore, #tpu.memory_space<semaphore_mem>>
        %dma_start3A_434 = arith.constant 0 : i32
        %dma_start3A_435 = arith.constant 0 : i32
        %dma_start3A_436 = tpu.memref_slice %arg4[%add3A_433, %dma_start3A_434, %dma_start3A_435] : memref<4096x50x32xf32, #tpu.memory_space<hbm>> -> memref<8x50x32xf32, #tpu.memory_space<hbm>>
        %dma_start3A_437 = arith.constant 0 : i32
        %dma_start3A_438 = arith.constant 0 : i32
        %dma_start3A_439 = tpu.memref_slice %arg4[%add3A_433, %dma_start3A_437, %dma_start3A_438] : memref<4096x50x32xf32, #tpu.memory_space<hbm>> -> memref<8x50x32xf32, #tpu.memory_space<hbm>>
        tpu.enqueue_dma source(%arg7 : memref<8x50x32xf32, #tpu.memory_space<vmem>>) target(%dma_start3A_439 : memref<8x50x32xf32, #tpu.memory_space<hbm>>) target_semaphore(%run_scoped3A : memref<!tpu.dma_semaphore, #tpu.memory_space<semaphore_mem>>)
        %dma_wait3A_440 = arith.constant 0 : i32
        %dma_wait3A_441 = arith.constant 0 : i32
        %dma_wait3A_442 = tpu.memref_slice %arg4[%add3A_433, %dma_wait3A_440, %dma_wait3A_441] : memref<4096x50x32xf32, #tpu.memory_space<hbm>> -> memref<8x50x32xf32, #tpu.memory_space<hbm>>
        %dma_wait3A_443 = arith.constant 0 : i32
        %dma_wait3A_444 = arith.constant 0 : i32
        %dma_wait3A_445 = tpu.memref_slice %arg4[%add3A_433, %dma_wait3A_443, %dma_wait3A_444] : memref<4096x50x32xf32, #tpu.memory_space<hbm>> -> memref<8x50x32xf32, #tpu.memory_space<hbm>>
        tpu.wait_dma2 semaphore(%run_scoped3A : memref<!tpu.dma_semaphore, #tpu.memory_space<semaphore_mem>>) src(%arg7 : memref<8x50x32xf32, #tpu.memory_space<vmem>>) dst(%dma_wait3A_445 : memref<8x50x32xf32, #tpu.memory_space<hbm>>)
        tpu.yield
      }) : () -> ()
    }
    %scan3A_6 = arith.constant 8 : i32
    return
  }
}

</mosaic_0001>

<sc_bundles>
// kernel: kernel.3.cloned.1.call-start
scs
__scs_entry_jumppad:
0x0: {  	(pc) =	sbr.rel $0x88, $3  }
0x1: {  	(tag) =	ssettag $0x0;
	lr =	simm.s32 $0x1  }
0x2: {  	[smem:$0x3F9F] =	sst lr;
	_ =	strace $0xD0000000  }
0x3: {  	_ = 	snop  }
0x4: {  	_ = 	snop  }
0x5: {  	_ = 	snop  }
0x6: {  	_ = 	snop  }
0x7: {  	_ = 	snop  }
__scs_overlays_trampoline_lowered:
0x8: {  	[smem:$0x3FAE] =	sst s0  }
0x9: {  	[smem:$0x3FAF] =	sst s1  }
0xa: {  	[smem:$0x3FB0] =	sst s2  }
0xb: {  	[smem:$0x3FB1] =	sst s3  }
0xc: {  	[smem:$0x3FB2] =	sst s4  }
0xd: {  	[smem:$0x3FB3] =	sst s5  }
0xe: {  	[smem:$0x3FB4] =	sst s6  }
0xf: {  	[smem:$0x3FB5] =	sst s7  }
0x10: {  	[smem:$0x3FB6] =	sst s8  }
0x11: {  	[smem:$0x3FB7] =	sst s9;
	s0 =	simm.s32 @!p0 $0x0  }
0x12: {  	s1 =	sld [smem:$0x3F9D];
	s0 =	simm.s32 @p0 $0x1  }
0x13: {  	[smem:$0x3FB8] =	sst s0;
	s0 =	simm.s32 @!p1 $0x0  }
0x14: {  	s2 =	sld [smem:$0x3F9C];
	s0 =	simm.s32 @p1 $0x1  }
0x15: {  	[smem:$0x3FB9] =	sst s0;
	s0 =	simm.s32 @!p2 $0x0  }
0x16: {  	s3 =	sld [smem:$0x3FDB];
	s0 =	simm.s32 @p2 $0x1  }
0x17: {  	s4 =	simm.s32 $0x1BF5;
	[smem:$0x3FBB] =	sst s0  }
0x18: {  	s0 =	sld [smem:$0x3F9E];
	_ =	swait.ge [sflag:s4], $0x0  }
0x19: {  	s7 =	sld [smem:$0x3F9F]  }
0x1a: {  	s8 =	sadd.s32 $0xFFFFE003, lr  }
0x1b: {  	s9 =	sadd.s32 $0xFFFFFEF7, lr;
	s5 =	simm.s32 $0xFFFFFFFF;
	p2 =	slt.u32 s8, $0xFFFFF086  }
0x1c: {  	p1 =	slt.u32 s9, $0xF7A;
	s5 =	simm.s32 @!p2 $0x0  }
0x1d: {  	s5 =	simm.s32 @p1 $0x1;
	p0 =	seq.s32 s7, s2  }
0x1e: {  	s7 =	smul.u32 @!p0 $0xF7A, s2;
	p2 =	seq.s32 @!p0 s5, $0x0  }
0x1f: {  	s9 =	smul.u32 $0xF7A, s1;
	s8 =	simm.s32 @!p0 $0x1BF5;
	p2 =	por !p2, p0  }
0x20: {  	[sflag:s8] =	ssyncset.s32 @!p0 $0xFFFFF086;
	s6 =	sadd.s32 @!p0 s3, s7;
	s7 =	simm.s32 @!p0 $0x108  }
0x21: {  	s3 =	sadd.s32 s3, s9;
	s6 =	sadd.s32 @!p0 $0x88, s6;
	s7 =	simm.s32 @p2 $0x1082  }
0x22: {  	[simem:s7], [sflag:s8] =	dma.local @!p0 [hbm:s6], $0xF7A  }
0x23: {  	s9 =	sor.u32 $0xD0000000, s2;
	s6 =	simm.s32 $0x108;
	_ =	swait.ge @!p0 [sflag:s8], $0x0  }
0x24: {  	s3 =	sadd.s32 $0x88, s3;
	s6 =	simm.s32 @!p1 $0x1082;
	[sflag:s4] =	ssyncset.s32 $0xFFFFF086  }
0x25: {  	[simem:s6], [sflag:s4] =	dma.local [hbm:s3], $0xF7A  }
0x26: {  	[smem:$0x3F9F] =	sst s1;
	(tag) =	ssettag s2;
	_ =	strace s9  }
0x27: {  	s1 =	sld [smem:$0x3FAF]  }
0x28: {  	s2 =	sld [smem:$0x3FB0]  }
0x29: {  	s4 =	sld [smem:$0x3FB2]  }
0x2a: {  	p0 =	seq.s32 s5, $0x0;
	s5 =	sld [smem:$0x3FB3]  }
0x2b: {  	s6 =	sld [smem:$0x3FB4]  }
0x2c: {  	s7 =	sld [smem:$0x3FB5]  }
0x2d: {  	s3 =	simm.s32 $0x108;
	s8 =	sld [smem:$0x3FB6]  }
0x2e: {  	s3 =	simm.s32 @!p0 $0x1082;
	s9 =	sld [smem:$0x3FB7]  }
0x2f: {  	lr =	sadd.s32 s0, s3;
	s0 =	sld [smem:$0x3FAE]  }
0x30: {  	s3 =	sld [smem:$0x3FB1]  }
0x31: {  	[smem:$0x3FBA] =	sst s10  }
0x32: {  	s10 =	sld [smem:$0x3FB8];
	_ =	sdelay $0x3  }
0x33: {  	p0 =	seq.s32 s10, $0x1;
	s10 =	sld [smem:$0x3FBA];
	_ =	sdelay $0x3  }
0x34: {  	[smem:$0x3FBA] =	sst s10  }
0x35: {  	s10 =	sld [smem:$0x3FB9];
	_ =	sdelay $0x3  }
0x36: {  	p1 =	seq.s32 s10, $0x1;
	s10 =	sld [smem:$0x3FBA];
	_ =	sdelay $0x3  }
0x37: {  	[smem:$0x3FBA] =	sst s10  }
0x38: {  	s10 =	sld [smem:$0x3FBB]  }
0x39: {  	_ = 	snop;
	(pc) =	sbr.ind lr, $3  }
0x3a: {  	_ = 	snop  }
0x3b: {  	_ = 	snop  }
0x3c: {  	p2 =	seq.s32 s10, $0x1;
	s10 =	sld [smem:$0x3FBA]  }
0x3d: {  	_ =	shalt  }
0x3e: {  	_ =	shalt  }
0x3f: {  	_ =	shalt  }
0x40: {  	_ =	shalt  }
0x41: {  	_ =	shalt  }
0x42: {  	_ =	shalt  }
0x43: {  	_ =	shalt  }
0x44: {  	_ =	shalt  }
0x45: {  	_ =	shalt  }
0x46: {  	_ =	shalt  }
0x47: {  	_ =	shalt  }
0x48: {  	_ =	shalt  }
0x49: {  	_ =	shalt  }
0x4a: {  	_ =	shalt  }
0x4b: {  	_ =	shalt  }
0x4c: {  	_ =	shalt  }
0x4d: {  	_ =	shalt  }
0x4e: {  	_ =	shalt  }
0x4f: {  	_ =	shalt  }
0x50: {  	_ =	shalt  }
0x51: {  	_ =	shalt  }
0x52: {  	_ =	shalt  }
0x53: {  	_ =	shalt  }
0x54: {  	_ =	shalt  }
0x55: {  	_ =	shalt  }
0x56: {  	_ =	shalt  }
0x57: {  	_ =	shalt  }
0x58: {  	_ =	shalt  }
0x59: {  	_ =	shalt  }
0x5a: {  	_ =	shalt  }
0x5b: {  	_ =	shalt  }
0x5c: {  	_ =	shalt  }
0x5d: {  	_ =	shalt  }
0x5e: {  	_ =	shalt  }
0x5f: {  	_ =	shalt  }
0x60: {  	_ =	shalt  }
0x61: {  	_ =	shalt  }
0x62: {  	_ =	shalt  }
0x63: {  	_ =	shalt  }
0x64: {  	_ =	shalt  }
0x65: {  	_ =	shalt  }
0x66: {  	_ =	shalt  }
0x67: {  	_ =	shalt  }
0x68: {  	_ =	shalt  }
0x69: {  	_ =	shalt  }
0x6a: {  	_ =	shalt  }
0x6b: {  	_ =	shalt  }
0x6c: {  	_ =	shalt  }
0x6d: {  	_ =	shalt  }
0x6e: {  	_ =	shalt  }
0x6f: {  	_ =	shalt  }
0x70: {  	_ =	shalt  }
0x71: {  	_ =	shalt  }
0x72: {  	_ =	shalt  }
0x73: {  	_ =	shalt  }
0x74: {  	_ =	shalt  }
0x75: {  	_ =	shalt  }
0x76: {  	_ =	shalt  }
0x77: {  	_ =	shalt  }
0x78: {  	_ =	shalt  }
0x79: {  	_ =	shalt  }
0x7a: {  	_ =	shalt  }
0x7b: {  	_ =	shalt  }
0x7c: {  	_ =	shalt  }
0x7d: {  	_ =	shalt  }
0x7e: {  	_ =	shalt  }
0x7f: {  	_ =	shalt  }
0x80: {  	_ =	shalt  }
0x81: {  	_ =	shalt  }
0x82: {  	_ =	shalt  }
0x83: {  	_ =	shalt  }
0x84: {  	_ =	shalt  }
0x85: {  	_ =	shalt  }
0x86: {  	_ =	shalt  }
0x87: {  	_ =	shalt  }
.Lfunc_end0:
.L_simem_size_0:
called_computation_lowered:
.L_overlay_start_0:
0x88: {  	s2 =	sld [smem:$0x3FD9]  }
0x89: {  	s3 =	sld [smem:$0x3FFE];
	_ =	sdelay $0x1  }
0x8a: {  	s1 =	srdreg.scid  }
0x8b: {  	s0 =	sand.u32 $0x1, s1  }
0x8c: {  	s17 =	sshll.u32 s0, $0xA;
	s2 =	sadd.s32 s3, s2  }
0x8d: {  	s2 =	sadd.s32 s2, s17  }
0x8e: {  	[smem:$0x3FC6] =	sst s2  }
0x8f: {  	_ = 	snop  }
0x90: {  	s2 =	sld [smem:$0x3FD0];
	(tm) =	ssettm $0x1  }
0x91: {  	s18 =	sld [smem:$0x3FFB];
	_ =	sdelay $0x3  }
0x92: {  	_ =	strace s18  }
0x93: {  	s3 =	sld [smem:$0x3FFC];
	_ =	sdelay $0x3  }
0x94: {  	_ =	strace s3  }
0x95: {  	s3 =	sld [smem:$0x3FFD];
	_ =	sdelay $0x3  }
0x96: {  	_ =	strace s3  }
0x97: {  	_ =	strace $0x8FFFFFFF  }
0x98: {  	s19 =	sld [smem:$0x3FDB];
	_ =	sdelay $0x1  }
0x99: {  	s4 =	simm.s32 $_scs_section_size  }
0x9a: {  	s5 =	simm.s32 $_size__tile_overlayer_lowered;
	s6 =	simm.s32 $_tile_overlayer_lowered  }
0x9b: {  	s22 =	simm.s32 $0x1BFF;
	s21 =	sshll.u32 s6, $0x1;
	s3 =	sadd.s32 s4, s19  }
0x9c: {  	s7 =	simm.s32 $0x0;
	s20 =	sshll.u32 s5, $0x1;
	s5 =	sadd.s32 s21, s3  }
0x9d: {  	[timem:s7], [sflag:s22] =	dma.local [hbm:s5], s20  }
0x9e: {  	_ =	swait.ge [sflag:s22], s20  }
0x9f: {  	s4 =	ssub.s32 $0x0, s20;
	[sflag:s22] =	ssyncset.done $0x0  }
0xa0: {  	[sflag:s22] =	ssyncadd.s32 s4;
	_ =	sdelay $0x1  }
0xa1: {  	s23 =	simm.s32 $0x1B8B  }
0xa2: {  	_ =	swait.ge [sflag:s23], $0x1  }
0xa3: {  	[sflag:s23] =	ssyncset.done $0x0  }
0xa4: {  	s25 =	simm.s32 $0x1B8E;
	s24 =	sld [smem:$0x3FFE];
	[sflag:s23] =	ssyncadd.s32 $0xFFFFFFFF  }
0xa5: {  	s26 =	simm.s32 $execute0_lowered;
	[smem:$0x3FD2] =	sst s25  }
0xa6: {  	s5 =	sshll.u32 s26, $0x1;
	_ =	strace $0x80000046;
	[dreg:$0x1] =	wrdreg $0xFFFFFFFF  }
0xa7: {  	s28 =	simm.s32 $_size_execute0_lowered;
	s3 =	sadd.s32 s3, s5;
	[dreg:$0x0] =	wrdreg $0x0  }
0xa8: {  	s5 =	sshll.u32 s28, $0x1;
	[dreg:$0x2] =	wrdreg s3  }
0xa9: {  	[dreg:$0x3] =	wrdreg s5  }
0xaa: {  	[dreg:$0x4] =	wrdreg $0xC0  }
0xab: {  	_ =	task [dreg:s7], $0x5FFFF  }
0xac: {  	[dreg:$0x1] =	wrdreg $0xFFFFFFFF  }
0xad: {  	[dreg:$0x0] =	wrdreg $0x60  }
0xae: {  	[dreg:$0x2] =	wrdreg s24  }
0xaf: {  	[dreg:$0x3] =	wrdreg s2  }
0xb0: {  	[dreg:$0x4] =	wrdreg $0x9  }
0xb1: {  	_ =	task.clear_ibuf [dreg:s7], $0x5FFFF;
	_ =	strace $0x90000046  }
0xb2: {  	s29 =	simm.s32 $0x9;
	_ =	strace $0x80000048  }
0xb3: {  	_ =	swait.ge [sflag:s29], $0x1  }
0xb4: {  	[sflag:s29] =	ssyncadd.s32 $0xFFFFFFFF  }
0xb5: {  	_ =	strace $0x90000048  }
0xb6: {  	_ =	sfence  }
0xb7: {  	s30 =	sld [smem:$0x0];
	_ =	sdelay $0x2  }
0xb8: {  	s31 =	sshll.u32 s1, $0xD;
	s1 =	sshrl.u32 s1, $0x2  }
0xb9: {  	s3 =	sand.u32 $0x4000, s31;
	s1 =	sadd.s32 s1, s30  }
0xba: {  	s0 =	sor.u32 s3, s0;
	s1 =	sshll.u32 s1, $0x11  }
0xbb: {  	s0 =	sor.u32 s1, s0  }
0xbc: {  	s0 =	sadd.s32 $0x8F2B, s0  }
0xbd: {  	[sflag:s0] =	ssyncadd.remote.s32 $0x1  }
0xbe: {  	_ =	sfence.sel $0xFFFF  }
0xbf: {  	[dreg:$0x0] =	wrdreg $0xFFFFFFFF;
	(pc) =	sbr.abs _section_cstart, $3  }
0xc0: {  	[dreg:$0x1] =	wrdreg $0xFFFFFFFF  }
0xc1: {  	_ =	task.clear_ibuf [dreg:s7], $0x2FFFF;
	_ =	strace $0x9FFFFFFF  }
0xc2: {  	(tm) =	ssettm $0x7FFFFFFF  }
0xc3: {  	_ =	shalt  }
tec
execute0_lowered:
.L_overlay_start_1:
0x0: {  	(tag) =	ssettag $0x1  }
0x1: {  	s1 =	srdreg.scid  }
0x2: {  	s3 =	rddreg [dreg:$0x0];
	s0 =	stileid.u32  }
0x3: {  	s7 =	rddreg [dreg:$0x1];
	s2 =	simm.s32 $0x0;
	s24 =	simm.s32 $0x2240  }
0x4: {  	s25 =	simm.s32 $0x2880;
	s26 =	simm.s32 $0x2EC0;
	s28 =	simm.s32 $0x3500  }
0x5: {  	s29 =	simm.s32 $0x3B40;
	s6 =	sand.u32 $0x1, s1;
	s1 =	rddreg [dreg:$0x2]  }
0x6: {  	s30 =	simm.s32 $0x4180;
	s10 =	simm.s32 $0x47C0;
	[smem:$0x7FF] =	sst s2  }
0x7: {  	s11 =	simm.s32 $0x5440;
	_ =	strace $0x80000047;
	[dreg:$0x3] =	wrdreg s24  }
0x8: {  	s31 =	simm.s32 $0x5A80;
	s12 =	simm.s32 $0x6700;
	[dreg:$0x4] =	wrdreg s25  }
0x9: {  	s13 =	simm.s32 $0x6D40;
	s14 =	simm.s32 $0x7380;
	[dreg:$0x5] =	wrdreg s26  }
0xa: {  	s15 =	simm.s32 $0x79C0;
	s16 =	simm.s32 $0x1;
	[dreg:$0x6] =	wrdreg s28  }
0xb: {  	s17 =	simm.s32 $0x2;
	s18 =	simm.s32 $0x0;
	[dreg:$0x7] =	wrdreg s29  }
0xc: {  	s4 =	sshll.u32 s0, $0x8;
	s9 =	smul.u32 $0xC800, s0;
	[dreg:$0x8] =	wrdreg s30  }
0xd: {  	s5 =	sshll.u32 s6, $0x7;
	s23 =	ssub.s32 $0x2, s6;
	[dreg:$0x9] =	wrdreg s10  }
0xe: {  	s6 =	smul.u32 $0x6400, s6;
	s10 =	simm.s32 $0x4E00;
	[dreg:$0xa] =	wrdreg s11  }
0xf: {  	[dreg:$0xb] =	wrdreg s31;
	s11 =	simm.s32 $0x60C0;
	s4 =	sor.u32 s5, s4  }
0x10: {  	s8 =	sshrl.u32 s23, $0x1;
	s7 =	sadd.s32 s9, s7;
	s4 =	smul.u32 $0x7, s4  }
0x11: {  	s9 =	simm.s32 $0x1C00;
	s5 =	ssub.s32 s23, s8;
	s6 =	sadd.s32 s6, s7  }
0x12: {  	s7 =	simm.s32 $0x3;
	s8 =	simm.s32 $0x32;
	s4 =	sadd.s32 s4, s3  }
0x13: {  	s5 =	smax.u32 s5, $0x1;
	s3 =	sadd.s32 $0xF42A00, s3;
	s4 =	sadd.s32 $0x600, s4  }
.LBB2_1:
0x14: {  	[tilespmem:s2], [sflag:$0x3] =	stream.linear.gather [hbm4b:s4+s2], $0x1C00, $0x38;
	[tilespmem:$0x8000] =	vst v63  }
0x15: {  	_ =	swait.ge [sflag:s7], $0x1C00  }
0x16: {  	[sflag:s7] =	ssyncset.done $0x0  }
0x17: {  	s19 =	simm.s32 $0x0;
	[sflag:s7] =	ssyncadd.s32 $0xFFFFE400  }
0x18: {  	[tilespmem:s9], [sflag:$0x1] =	stream.indirect.gather [hbm4b:s3+s8], $0x20, s19, s8, $0xb8;
	[tilespmem:$0x8000] =	vst v63  }
0x19: {  	s29 =	simm.s32 $0x38;
	s20 =	rddreg [dreg:$0x3]  }
0x1a: {  	[tilespmem:s20], [sflag:$0x1] =	stream.indirect.gather [hbm4b:s3+s8], $0x20, s29, s8, $0xb8;
	[tilespmem:$0x8000] =	vst v63  }
0x1b: {  	s31 =	simm.s32 $0x70;
	s21 =	rddreg [dreg:$0x4]  }
0x1c: {  	[tilespmem:s21], [sflag:$0x1] =	stream.indirect.gather [hbm4b:s3+s8], $0x20, s31, s8, $0xb8;
	[tilespmem:$0x8000] =	vst v63  }
0x1d: {  	s22 =	simm.s32 $0xA8;
	s30 =	rddreg [dreg:$0x5]  }
0x1e: {  	[tilespmem:s30], [sflag:$0x1] =	stream.indirect.gather [hbm4b:s3+s8], $0x20, s22, s8, $0xb8;
	[tilespmem:$0x8000] =	vst v63  }
0x1f: {  	s25 =	simm.s32 $0xE0;
	s23 =	rddreg [dreg:$0x6]  }
0x20: {  	[tilespmem:s23], [sflag:$0x1] =	stream.indirect.gather [hbm4b:s3+s8], $0x20, s25, s8, $0xb8;
	[tilespmem:$0x8000] =	vst v63  }
0x21: {  	s26 =	simm.s32 $0x118;
	s24 =	rddreg [dreg:$0x7]  }
0x22: {  	[tilespmem:s24], [sflag:$0x1] =	stream.indirect.gather [hbm4b:s3+s8], $0x20, s26, s8, $0xb8;
	[tilespmem:$0x8000] =	vst v63  }
0x23: {  	s28 =	rddreg [dreg:$0x8];
	s29 =	simm.s32 $0x150  }
0x24: {  	[tilespmem:s28], [sflag:$0x1] =	stream.indirect.gather [hbm4b:s3+s8], $0x20, s29, s8, $0xb8;
	[tilespmem:$0x8000] =	vst v63  }
0x25: {  	s31 =	simm.s32 $0x188;
	s30 =	rddreg [dreg:$0x9]  }
0x26: {  	[tilespmem:s30], [sflag:$0x1] =	stream.indirect.gather [hbm4b:s3+s8], $0x20, s31, s8, $0xb8;
	[tilespmem:$0x8000] =	vst v63  }
0x27: {  	s20 =	simm.s32 $0x1C0  }
0x28: {  	[tilespmem:s10], [sflag:$0x2] =	stream.indirect.gather [hbm4b:s3+s8], $0x20, s20, s8, $0xb8;
	[tilespmem:$0x8000] =	vst v63  }
0x29: {  	s21 =	rddreg [dreg:$0xa];
	s22 =	simm.s32 $0x1F8  }
0x2a: {  	[tilespmem:s21], [sflag:$0x2] =	stream.indirect.gather [hbm4b:s3+s8], $0x20, s22, s8, $0xb8;
	[tilespmem:$0x8000] =	vst v63  }
0x2b: {  	s23 =	rddreg [dreg:$0xb];
	s24 =	simm.s32 $0x230  }
0x2c: {  	[tilespmem:s23], [sflag:$0x2] =	stream.indirect.gather [hbm4b:s3+s8], $0x20, s24, s8, $0xb8;
	[tilespmem:$0x8000] =	vst v63  }
0x2d: {  	s25 =	simm.s32 $0x268  }
0x2e: {  	[tilespmem:s11], [sflag:$0x2] =	stream.indirect.gather [hbm4b:s3+s8], $0x20, s25, s8, $0xb8;
	[tilespmem:$0x8000] =	vst v63  }
0x2f: {  	s26 =	simm.s32 $0x2A0  }
0x30: {  	[tilespmem:s12], [sflag:$0x2] =	stream.indirect.gather [hbm4b:s3+s8], $0x20, s26, s8, $0xb8;
	[tilespmem:$0x8000] =	vst v63  }
0x31: {  	s28 =	simm.s32 $0x2D8  }
0x32: {  	[tilespmem:s13], [sflag:$0x2] =	stream.indirect.gather [hbm4b:s3+s8], $0x20, s28, s8, $0xb8;
	[tilespmem:$0x8000] =	vst v63  }
0x33: {  	s29 =	simm.s32 $0x310  }
0x34: {  	[tilespmem:s14], [sflag:$0x2] =	stream.indirect.gather [hbm4b:s3+s8], $0x20, s29, s8, $0xb8;
	[tilespmem:$0x8000] =	vst v63  }
0x35: {  	s30 =	simm.s32 $0x348  }
0x36: {  	[tilespmem:s15], [sflag:$0x2] =	stream.indirect.gather [hbm4b:s3+s8], $0x20, s30, s8, $0xb8;
	[tilespmem:$0x8000] =	vst v63  }
0x37: {  	_ =	swait.ge [sflag:s16], $0x640  }
0x38: {  	[sflag:s16] =	ssyncset.done $0x0  }
0x39: {  	[sflag:s16] =	ssyncadd.s32 $0xFFFFF9C0  }
0x3a: {  	_ =	swait.ge [sflag:s16], $0x640  }
0x3b: {  	[sflag:s16] =	ssyncset.done $0x0  }
0x3c: {  	[sflag:s16] =	ssyncadd.s32 $0xFFFFF9C0  }
0x3d: {  	_ =	swait.ge [sflag:s16], $0x640  }
0x3e: {  	[sflag:s16] =	ssyncset.done $0x0  }
0x3f: {  	[sflag:s16] =	ssyncadd.s32 $0xFFFFF9C0  }
0x40: {  	_ =	swait.ge [sflag:s16], $0x640  }
0x41: {  	[sflag:s16] =	ssyncset.done $0x0  }
0x42: {  	[sflag:s16] =	ssyncadd.s32 $0xFFFFF9C0  }
0x43: {  	_ =	swait.ge [sflag:s16], $0x640  }
0x44: {  	[sflag:s16] =	ssyncset.done $0x0  }
0x45: {  	[sflag:s16] =	ssyncadd.s32 $0xFFFFF9C0  }
0x46: {  	_ =	swait.ge [sflag:s16], $0x640  }
0x47: {  	[sflag:s16] =	ssyncset.done $0x0  }
0x48: {  	[sflag:s16] =	ssyncadd.s32 $0xFFFFF9C0  }
0x49: {  	_ =	swait.ge [sflag:s16], $0x640  }
0x4a: {  	[sflag:s16] =	ssyncset.done $0x0  }
0x4b: {  	[sflag:s16] =	ssyncadd.s32 $0xFFFFF9C0  }
0x4c: {  	_ =	swait.ge [sflag:s16], $0x640  }
0x4d: {  	[sflag:s16] =	ssyncset.done $0x0  }
0x4e: {  	[sflag:s16] =	ssyncadd.s32 $0xFFFFF9C0  }
0x4f: {  	[hbm4b:s6+s2] =	stream.linear.scatter [tilespmem:s9], [sflag:$0x3], $0x3200, $0x38;
	[tilespmem:$0x8000] =	vst v63  }
0x50: {  	_ =	swait.ge [sflag:s7], $0x3200  }
0x51: {  	[sflag:s7] =	ssyncset.done $0x0  }
0x52: {  	[sflag:s7] =	ssyncadd.s32 $0xFFFFCE00  }
0x53: {  	_ =	swait.ge [sflag:s17], $0x640  }
0x54: {  	[sflag:s17] =	ssyncset.done $0x0  }
0x55: {  	[sflag:s17] =	ssyncadd.s32 $0xFFFFF9C0  }
0x56: {  	_ =	swait.ge [sflag:s17], $0x640  }
0x57: {  	[sflag:s17] =	ssyncset.done $0x0  }
0x58: {  	[sflag:s17] =	ssyncadd.s32 $0xFFFFF9C0  }
0x59: {  	_ =	swait.ge [sflag:s17], $0x640  }
0x5a: {  	[sflag:s17] =	ssyncset.done $0x0  }
0x5b: {  	[sflag:s17] =	ssyncadd.s32 $0xFFFFF9C0  }
0x5c: {  	_ =	swait.ge [sflag:s17], $0x640  }
0x5d: {  	[sflag:s17] =	ssyncset.done $0x0  }
0x5e: {  	[sflag:s17] =	ssyncadd.s32 $0xFFFFF9C0  }
0x5f: {  	_ =	swait.ge [sflag:s17], $0x640  }
0x60: {  	[sflag:s17] =	ssyncset.done $0x0  }
0x61: {  	[sflag:s17] =	ssyncadd.s32 $0xFFFFF9C0  }
0x62: {  	_ =	swait.ge [sflag:s17], $0x640  }
0x63: {  	[sflag:s17] =	ssyncset.done $0x0  }
0x64: {  	[sflag:s17] =	ssyncadd.s32 $0xFFFFF9C0  }
0x65: {  	_ =	swait.ge [sflag:s17], $0x640  }
0x66: {  	[sflag:s17] =	ssyncset.done $0x0  }
0x67: {  	[sflag:s17] =	ssyncadd.s32 $0xFFFFF9C0  }
0x68: {  	_ =	swait.ge [sflag:s17], $0x640  }
0x69: {  	[sflag:s17] =	ssyncset.done $0x0  }
0x6a: {  	s19 =	sadd.s32 $0xC80, s6;
	s31 =	sadd.s32 $0x640, s6;
	[sflag:s17] =	ssyncadd.s32 $0xFFFFF9C0  }
0x6b: {  	[hbm4b:s31+s2] =	stream.linear.scatter [tilespmem:s10], [sflag:$0x3], $0x3200, $0x38;
	[tilespmem:$0x8000] =	vst v63  }
0x6c: {  	s20 =	simm.s32 $0xE00;
	s21 =	simm.s32 $0x1C00;
	_ =	swait.ge [sflag:s7], $0x3200  }
.LBB2_2:
0x6d: {  	[sflag:s7] =	ssyncset.done $0x0  }
0x6e: {  	s22 =	sshra.s32 s20, $0x2;
	[sflag:s7] =	ssyncadd.s32 $0xFFFFCE00  }
0x6f: {  	[tilespmem:s9], [sflag:$0x1] =	stream.indirect.gather [hbm4b:s3+s8], $0x20, s22, s8, $0xb8;
	[tilespmem:$0x8000] =	vst v63  }
0x70: {  	s23 =	rddreg [dreg:$0x3];
	s24 =	sadd.s32 $0x38, s22  }
0x71: {  	[tilespmem:s23], [sflag:$0x1] =	stream.indirect.gather [hbm4b:s3+s8], $0x20, s24, s8, $0xb8;
	[tilespmem:$0x8000] =	vst v63  }
0x72: {  	s26 =	rddreg [dreg:$0x4];
	s30 =	sadd.s32 $0x70, s22  }
0x73: {  	[tilespmem:s26], [sflag:$0x1] =	stream.indirect.gather [hbm4b:s3+s8], $0x20, s30, s8, $0xb8;
	[tilespmem:$0x8000] =	vst v63  }
0x74: {  	s25 =	rddreg [dreg:$0x5];
	s31 =	sadd.s32 $0xA8, s22  }
0x75: {  	[tilespmem:s25], [sflag:$0x1] =	stream.indirect.gather [hbm4b:s3+s8], $0x20, s31, s8, $0xb8;
	[tilespmem:$0x8000] =	vst v63  }
0x76: {  	s29 =	sadd.s32 $0xE0, s22;
	s30 =	rddreg [dreg:$0x6]  }
0x77: {  	[tilespmem:s30], [sflag:$0x1] =	stream.indirect.gather [hbm4b:s3+s8], $0x20, s29, s8, $0xb8;
	[tilespmem:$0x8000] =	vst v63  }
0x78: {  	s28 =	rddreg [dreg:$0x7];
	s31 =	sadd.s32 $0x118, s22  }
0x79: {  	[tilespmem:s28], [sflag:$0x1] =	stream.indirect.gather [hbm4b:s3+s8], $0x20, s31, s8, $0xb8;
	[tilespmem:$0x8000] =	vst v63  }
0x7a: {  	s25 =	rddreg [dreg:$0x8];
	s29 =	sadd.s32 $0x150, s22  }
0x7b: {  	[tilespmem:s25], [sflag:$0x1] =	stream.indirect.gather [hbm4b:s3+s8], $0x20, s29, s8, $0xb8;
	[tilespmem:$0x8000] =	vst v63  }
0x7c: {  	s30 =	sadd.s32 $0x188, s22;
	s31 =	rddreg [dreg:$0x9]  }
0x7d: {  	[tilespmem:s31], [sflag:$0x1] =	stream.indirect.gather [hbm4b:s3+s8], $0x20, s30, s8, $0xb8;
	[tilespmem:$0x8000] =	vst v63  }
0x7e: {  	s25 =	sadd.s32 $0x1C0, s22  }
0x7f: {  	[tilespmem:s10], [sflag:$0x2] =	stream.indirect.gather [hbm4b:s3+s8], $0x20, s25, s8, $0xb8;
	[tilespmem:$0x8000] =	vst v63  }
0x80: {  	s28 =	sadd.s32 $0x1F8, s22;
	s29 =	rddreg [dreg:$0xa]  }
0x81: {  	[tilespmem:s29], [sflag:$0x2] =	stream.indirect.gather [hbm4b:s3+s8], $0x20, s28, s8, $0xb8;
	[tilespmem:$0x8000] =	vst v63  }
0x82: {  	s30 =	sadd.s32 $0x230, s22;
	s31 =	rddreg [dreg:$0xb]  }
0x83: {  	[tilespmem:s31], [sflag:$0x2] =	stream.indirect.gather [hbm4b:s3+s8], $0x20, s30, s8, $0xb8;
	[tilespmem:$0x8000] =	vst v63  }
0x84: {  	s25 =	sadd.s32 $0x268, s22  }
0x85: {  	[tilespmem:s11], [sflag:$0x2] =	stream.indirect.gather [hbm4b:s3+s8], $0x20, s25, s8, $0xb8;
	[tilespmem:$0x8000] =	vst v63  }
0x86: {  	s28 =	sadd.s32 $0x2A0, s22  }
0x87: {  	[tilespmem:s12], [sflag:$0x2] =	stream.indirect.gather [hbm4b:s3+s8], $0x20, s28, s8, $0xb8;
	[tilespmem:$0x8000] =	vst v63  }
0x88: {  	s29 =	sadd.s32 $0x2D8, s22  }
0x89: {  	[tilespmem:s13], [sflag:$0x2] =	stream.indirect.gather [hbm4b:s3+s8], $0x20, s29, s8, $0xb8;
	[tilespmem:$0x8000] =	vst v63  }
0x8a: {  	s30 =	sadd.s32 $0x310, s22  }
0x8b: {  	[tilespmem:s14], [sflag:$0x2] =	stream.indirect.gather [hbm4b:s3+s8], $0x20, s30, s8, $0xb8;
	[tilespmem:$0x8000] =	vst v63  }
0x8c: {  	s22 =	sadd.s32 $0x348, s22  }
0x8d: {  	[tilespmem:s15], [sflag:$0x2] =	stream.indirect.gather [hbm4b:s3+s8], $0x20, s22, s8, $0xb8;
	[tilespmem:$0x8000] =	vst v63  }
0x8e: {  	_ =	swait.ge [sflag:s16], $0x640  }
0x8f: {  	[sflag:s16] =	ssyncset.done $0x0  }
0x90: {  	[sflag:s16] =	ssyncadd.s32 $0xFFFFF9C0  }
0x91: {  	_ =	swait.ge [sflag:s16], $0x640  }
0x92: {  	[sflag:s16] =	ssyncset.done $0x0  }
0x93: {  	[sflag:s16] =	ssyncadd.s32 $0xFFFFF9C0  }
0x94: {  	_ =	swait.ge [sflag:s16], $0x640  }
0x95: {  	[sflag:s16] =	ssyncset.done $0x0  }
0x96: {  	[sflag:s16] =	ssyncadd.s32 $0xFFFFF9C0  }
0x97: {  	_ =	swait.ge [sflag:s16], $0x640  }
0x98: {  	[sflag:s16] =	ssyncset.done $0x0  }
0x99: {  	[sflag:s16] =	ssyncadd.s32 $0xFFFFF9C0  }
0x9a: {  	_ =	swait.ge [sflag:s16], $0x640  }
0x9b: {  	[sflag:s16] =	ssyncset.done $0x0  }
0x9c: {  	[sflag:s16] =	ssyncadd.s32 $0xFFFFF9C0  }
0x9d: {  	_ =	swait.ge [sflag:s16], $0x640  }
0x9e: {  	[sflag:s16] =	ssyncset.done $0x0  }
0x9f: {  	[sflag:s16] =	ssyncadd.s32 $0xFFFFF9C0  }
0xa0: {  	_ =	swait.ge [sflag:s16], $0x640  }
0xa1: {  	[sflag:s16] =	ssyncset.done $0x0  }
0xa2: {  	[sflag:s16] =	ssyncadd.s32 $0xFFFFF9C0  }
0xa3: {  	_ =	swait.ge [sflag:s16], $0x640  }
0xa4: {  	[sflag:s16] =	ssyncset.done $0x0  }
0xa5: {  	[sflag:s16] =	ssyncadd.s32 $0xFFFFF9C0  }
0xa6: {  	[hbm4b:s19+s2] =	stream.linear.scatter [tilespmem:s9], [sflag:$0x3], $0x3200, $0x38;
	[tilespmem:$0x8000] =	vst v63  }
0xa7: {  	_ =	swait.ge [sflag:s7], $0x3200  }
0xa8: {  	[sflag:s7] =	ssyncset.done $0x0  }
0xa9: {  	[sflag:s7] =	ssyncadd.s32 $0xFFFFCE00  }
0xaa: {  	_ =	swait.ge [sflag:s17], $0x640  }
0xab: {  	[sflag:s17] =	ssyncset.done $0x0  }
0xac: {  	[sflag:s17] =	ssyncadd.s32 $0xFFFFF9C0  }
0xad: {  	_ =	swait.ge [sflag:s17], $0x640  }
0xae: {  	[sflag:s17] =	ssyncset.done $0x0  }
0xaf: {  	[sflag:s17] =	ssyncadd.s32 $0xFFFFF9C0  }
0xb0: {  	_ =	swait.ge [sflag:s17], $0x640  }
0xb1: {  	[sflag:s17] =	ssyncset.done $0x0  }
0xb2: {  	[sflag:s17] =	ssyncadd.s32 $0xFFFFF9C0  }
0xb3: {  	_ =	swait.ge [sflag:s17], $0x640  }
0xb4: {  	[sflag:s17] =	ssyncset.done $0x0  }
0xb5: {  	[sflag:s17] =	ssyncadd.s32 $0xFFFFF9C0  }
0xb6: {  	_ =	swait.ge [sflag:s17], $0x640  }
0xb7: {  	[sflag:s17] =	ssyncset.done $0x0  }
0xb8: {  	[sflag:s17] =	ssyncadd.s32 $0xFFFFF9C0  }
0xb9: {  	_ =	swait.ge [sflag:s17], $0x640  }
0xba: {  	[sflag:s17] =	ssyncset.done $0x0  }
0xbb: {  	[sflag:s17] =	ssyncadd.s32 $0xFFFFF9C0  }
0xbc: {  	_ =	swait.ge [sflag:s17], $0x640  }
0xbd: {  	[sflag:s17] =	ssyncset.done $0x0  }
0xbe: {  	p0 =	sne.s32 s21, $0x6200;
	[sflag:s17] =	ssyncadd.s32 $0xFFFFF9C0  }
.Ltmp0:
0xbf: {  	_ =	swait.ge [sflag:s17], $0x640;
	(pc) =	sbr.rel @p0 .LBB2_2-.Ltmp0, $4  }
0xc0: {  	[sflag:s17] =	ssyncset.done $0x0  }
0xc1: {  	s20 =	smov.u32 s21;
	s31 =	sadd.s32 $0x640, s19;
	[sflag:s17] =	ssyncadd.s32 $0xFFFFF9C0  }
0xc2: {  	[hbm4b:s31+s2] =	stream.linear.scatter [tilespmem:s10], [sflag:$0x3], $0x3200, $0x38;
	[tilespmem:$0x8000] =	vst v63  }
0xc3: {  	s21 =	sadd.s32 $0xE00, s21;
	s19 =	sadd.s32 $0xC80, s19;
	_ =	swait.ge [sflag:s7], $0x3200  }
0xc4: {  	[sflag:s7] =	ssyncset.done $0x0  }
0xc5: {  	s20 =	sshra.s32 s20, $0x2;
	[sflag:s7] =	ssyncadd.s32 $0xFFFFCE00  }
0xc6: {  	[tilespmem:s9], [sflag:$0x1] =	stream.indirect.gather [hbm4b:s3+s8], $0x20, s20, s8, $0xb8;
	[tilespmem:$0x8000] =	vst v63  }
0xc7: {  	s21 =	rddreg [dreg:$0x3];
	s22 =	sadd.s32 $0x38, s20  }
0xc8: {  	[tilespmem:s21], [sflag:$0x1] =	stream.indirect.gather [hbm4b:s3+s8], $0x20, s22, s8, $0xb8;
	[tilespmem:$0x8000] =	vst v63  }
0xc9: {  	s23 =	rddreg [dreg:$0x4];
	s26 =	sadd.s32 $0x70, s20  }
0xca: {  	[tilespmem:s23], [sflag:$0x1] =	stream.indirect.gather [hbm4b:s3+s8], $0x20, s26, s8, $0xb8;
	[tilespmem:$0x8000] =	vst v63  }
0xcb: {  	s25 =	rddreg [dreg:$0x5];
	s28 =	sadd.s32 $0xA8, s20  }
0xcc: {  	[tilespmem:s25], [sflag:$0x1] =	stream.indirect.gather [hbm4b:s3+s8], $0x20, s28, s8, $0xb8;
	[tilespmem:$0x8000] =	vst v63  }
0xcd: {  	s29 =	rddreg [dreg:$0x6];
	s31 =	sadd.s32 $0xE0, s20  }
0xce: {  	[tilespmem:s29], [sflag:$0x1] =	stream.indirect.gather [hbm4b:s3+s8], $0x20, s31, s8, $0xb8;
	[tilespmem:$0x8000] =	vst v63  }
0xcf: {  	s30 =	rddreg [dreg:$0x7];
	s24 =	sadd.s32 $0x118, s20  }
0xd0: {  	[tilespmem:s30], [sflag:$0x1] =	stream.indirect.gather [hbm4b:s3+s8], $0x20, s24, s8, $0xb8;
	[tilespmem:$0x8000] =	vst v63  }
0xd1: {  	s26 =	sadd.s32 $0x150, s20;
	s25 =	rddreg [dreg:$0x8]  }
0xd2: {  	[tilespmem:s25], [sflag:$0x1] =	stream.indirect.gather [hbm4b:s3+s8], $0x20, s26, s8, $0xb8;
	[tilespmem:$0x8000] =	vst v63  }
0xd3: {  	s28 =	rddreg [dreg:$0x9];
	s29 =	sadd.s32 $0x188, s20  }
0xd4: {  	[tilespmem:s28], [sflag:$0x1] =	stream.indirect.gather [hbm4b:s3+s8], $0x20, s29, s8, $0xb8;
	[tilespmem:$0x8000] =	vst v63  }
0xd5: {  	s30 =	sadd.s32 $0x1C0, s20  }
0xd6: {  	[tilespmem:s10], [sflag:$0x2] =	stream.indirect.gather [hbm4b:s3+s8], $0x20, s30, s8, $0xb8;
	[tilespmem:$0x8000] =	vst v63  }
0xd7: {  	s23 =	sadd.s32 $0x1F8, s20;
	s31 =	rddreg [dreg:$0xa]  }
0xd8: {  	[tilespmem:s31], [sflag:$0x2] =	stream.indirect.gather [hbm4b:s3+s8], $0x20, s23, s8, $0xb8;
	[tilespmem:$0x8000] =	vst v63  }
0xd9: {  	s24 =	rddreg [dreg:$0xb];
	s25 =	sadd.s32 $0x230, s20  }
0xda: {  	[tilespmem:s24], [sflag:$0x2] =	stream.indirect.gather [hbm4b:s3+s8], $0x20, s25, s8, $0xb8;
	[tilespmem:$0x8000] =	vst v63  }
0xdb: {  	s26 =	sadd.s32 $0x268, s20  }
0xdc: {  	[tilespmem:s11], [sflag:$0x2] =	stream.indirect.gather [hbm4b:s3+s8], $0x20, s26, s8, $0xb8;
	[tilespmem:$0x8000] =	vst v63  }
0xdd: {  	s28 =	sadd.s32 $0x2A0, s20  }
0xde: {  	[tilespmem:s12], [sflag:$0x2] =	stream.indirect.gather [hbm4b:s3+s8], $0x20, s28, s8, $0xb8;
	[tilespmem:$0x8000] =	vst v63  }
0xdf: {  	s29 =	sadd.s32 $0x2D8, s20  }
0xe0: {  	[tilespmem:s13], [sflag:$0x2] =	stream.indirect.gather [hbm4b:s3+s8], $0x20, s29, s8, $0xb8;
	[tilespmem:$0x8000] =	vst v63  }
0xe1: {  	s30 =	sadd.s32 $0x310, s20  }
0xe2: {  	[tilespmem:s14], [sflag:$0x2] =	stream.indirect.gather [hbm4b:s3+s8], $0x20, s30, s8, $0xb8;
	[tilespmem:$0x8000] =	vst v63  }
0xe3: {  	s20 =	sadd.s32 $0x348, s20  }
0xe4: {  	[tilespmem:s15], [sflag:$0x2] =	stream.indirect.gather [hbm4b:s3+s8], $0x20, s20, s8, $0xb8;
	[tilespmem:$0x8000] =	vst v63  }
0xe5: {  	_ =	swait.ge [sflag:s16], $0x640  }
0xe6: {  	[sflag:s16] =	ssyncset.done $0x0  }
0xe7: {  	[sflag:s16] =	ssyncadd.s32 $0xFFFFF9C0  }
0xe8: {  	_ =	swait.ge [sflag:s16], $0x640  }
0xe9: {  	[sflag:s16] =	ssyncset.done $0x0  }
0xea: {  	[sflag:s16] =	ssyncadd.s32 $0xFFFFF9C0  }
0xeb: {  	_ =	swait.ge [sflag:s16], $0x640  }
0xec: {  	[sflag:s16] =	ssyncset.done $0x0  }
0xed: {  	[sflag:s16] =	ssyncadd.s32 $0xFFFFF9C0  }
0xee: {  	_ =	swait.ge [sflag:s16], $0x640  }
0xef: {  	[sflag:s16] =	ssyncset.done $0x0  }
0xf0: {  	[sflag:s16] =	ssyncadd.s32 $0xFFFFF9C0  }
0xf1: {  	_ =	swait.ge [sflag:s16], $0x640  }
0xf2: {  	[sflag:s16] =	ssyncset.done $0x0  }
0xf3: {  	[sflag:s16] =	ssyncadd.s32 $0xFFFFF9C0  }
0xf4: {  	_ =	swait.ge [sflag:s16], $0x640  }
0xf5: {  	[sflag:s16] =	ssyncset.done $0x0  }
0xf6: {  	[sflag:s16] =	ssyncadd.s32 $0xFFFFF9C0  }
0xf7: {  	_ =	swait.ge [sflag:s16], $0x640  }
0xf8: {  	[sflag:s16] =	ssyncset.done $0x0  }
0xf9: {  	[sflag:s16] =	ssyncadd.s32 $0xFFFFF9C0  }
0xfa: {  	_ =	swait.ge [sflag:s16], $0x640  }
0xfb: {  	[sflag:s16] =	ssyncset.done $0x0  }
0xfc: {  	[sflag:s16] =	ssyncadd.s32 $0xFFFFF9C0  }
0xfd: {  	[hbm4b:s19+s2] =	stream.linear.scatter [tilespmem:s9], [sflag:$0x3], $0x3200, $0x38;
	[tilespmem:$0x8000] =	vst v63  }
0xfe: {  	_ =	swait.ge [sflag:s7], $0x3200  }
0xff: {  	[sflag:s7] =	ssyncset.done $0x0  }
0x100: {  	[sflag:s7] =	ssyncadd.s32 $0xFFFFCE00  }
0x101: {  	_ =	swait.ge [sflag:s17], $0x640  }
0x102: {  	[sflag:s17] =	ssyncset.done $0x0  }
0x103: {  	[sflag:s17] =	ssyncadd.s32 $0xFFFFF9C0  }
0x104: {  	_ =	swait.ge [sflag:s17], $0x640  }
0x105: {  	[sflag:s17] =	ssyncset.done $0x0  }
0x106: {  	[sflag:s17] =	ssyncadd.s32 $0xFFFFF9C0  }
0x107: {  	_ =	swait.ge [sflag:s17], $0x640  }
0x108: {  	[sflag:s17] =	ssyncset.done $0x0  }
0x109: {  	[sflag:s17] =	ssyncadd.s32 $0xFFFFF9C0  }
0x10a: {  	_ =	swait.ge [sflag:s17], $0x640  }
0x10b: {  	[sflag:s17] =	ssyncset.done $0x0  }
0x10c: {  	[sflag:s17] =	ssyncadd.s32 $0xFFFFF9C0  }
0x10d: {  	_ =	swait.ge [sflag:s17], $0x640  }
0x10e: {  	[sflag:s17] =	ssyncset.done $0x0  }
0x10f: {  	[sflag:s17] =	ssyncadd.s32 $0xFFFFF9C0  }
0x110: {  	_ =	swait.ge [sflag:s17], $0x640  }
0x111: {  	[sflag:s17] =	ssyncset.done $0x0  }
0x112: {  	[sflag:s17] =	ssyncadd.s32 $0xFFFFF9C0  }
0x113: {  	_ =	swait.ge [sflag:s17], $0x640  }
0x114: {  	[sflag:s17] =	ssyncset.done $0x0  }
0x115: {  	[sflag:s17] =	ssyncadd.s32 $0xFFFFF9C0  }
0x116: {  	s18 =	sadd.s32 $0x1, s18;
	_ =	swait.ge [sflag:s17], $0x640  }
0x117: {  	p0 =	sne.s32 s18, s5;
	[sflag:s17] =	ssyncset.done $0x0  }
.Ltmp1:
0x118: {  	s31 =	sadd.s32 $0x640, s19;
	[sflag:s17] =	ssyncadd.s32 $0xFFFFF9C0;
	(pc) =	sbr.rel @p0 .LBB2_1-.Ltmp1, $4  }
0x119: {  	[hbm4b:s31+s2] =	stream.linear.scatter [tilespmem:s10], [sflag:$0x3], $0x3200, $0x38;
	[tilespmem:$0x8000] =	vst v63  }
0x11a: {  	_ =	swait.ge [sflag:s7], $0x3200  }
0x11b: {  	[sflag:s7] =	ssyncset.done $0x0  }
0x11c: {  	[sflag:s7] =	ssyncadd.s32 $0xFFFFCE00  }
0x11d: {  	_ =	sfence.sel $0x180000  }
0x11e: {  	[bflag:$0x0] =	sbarrier.arrive $0xFFFF  }
0x11f: {  	p0 =	sne.s32 s0, $0x0;
	_ =	strace $0x90000047  }
0x120: {  	s0 =	sadd.s32 @!p0 $0x100000, s1;
	[bflag:$0x2] =	sbarrier.arrive $0xFFFF  }
0x121: {  	[sflag:s0] =	ssyncadd.tile.s32 @!p0 $0x1;
	_ =	shalt  }
.Lfunc_end2:
_tile_overlayer_lowered:
.L_overlay_start_2:
0x122: {  	(tag) =	ssettag $0x2  }
0x123: {  	s0 =	rddreg [dreg:$0x0];
	s2 =	stileid.u32  }
0x124: {  	s1 =	rddreg [dreg:$0x1];
	p0 =	sne.s32 s2, $0x0  }
0x125: {  	s3 =	rddreg [dreg:$0x2];
	[bflag:$0x3] =	sbarrier.arrive $0xFFFF;
	s2 =	simm.s32 @!p0 $0x1C03  }
0x126: {  	[timem:s3], [sflag:s2] =	dma.local @!p0 [hbm:s0], s1  }
0x127: {  	s0 =	simm.s32 @!p0 $0x3  }
0x128: {  	_ =	swait.ge @!p0 [sflag:s0], s1  }
0x129: {  	s1 =	ssub.s32 @!p0 $0x0, s1;
	[sflag:s0] =	ssyncset.done @!p0 $0x0  }
0x12a: {  	[sflag:s0] =	ssyncadd.s32 @!p0 s1  }
0x12b: {  	[bflag:$0x3] =	sbarrier.arrive $0xFFFF  }
0x12c: {  	_ =	shalt  }

</sc_bundles>
